<compile_context>
chip_gen: v7x
topology: tpu7x:2x2x1
jax: 0.10.2.dev20260603
libtpu: 0.0.44.dev20260713+nightly
codegen_flags: <defaults>
</compile_context>

<pallas_src>
import functools
import jax
import jax.numpy as jnp
from jax import lax
from jax.experimental import pallas as pl
from jax.experimental.pallas import tpu as pltpu
from jax.experimental.pallas import tpu_sc as plsc

D = 64
SCALE = 8.0
NC = 2
NS = 16
NW = NC * NS
IDX_W = 128
K = 4
CH = K * IDX_W
NBUF = 3


@functools.lru_cache(maxsize=None)
def _make_gather(B):
    per_w = B // NW
    xrows_w = per_w // IDX_W
    nch = xrows_w // K
    mesh = plsc.VectorSubcoreMesh(
        core_axis_name="c", subcore_axis_name="s", num_cores=NC, num_subcores=NS
    )

    @functools.partial(
        pl.kernel,
        out_type=jax.ShapeDtypeStruct((B, 128), jnp.float32),
        mesh=mesh,
        scratch_types=[
            pltpu.VMEM((xrows_w, IDX_W), jnp.int32),
            pltpu.VMEM((NBUF * CH, D), jnp.float32),
            pltpu.SemaphoreType.DMA((NBUF,)),
            pltpu.SemaphoreType.DMA((NBUF,)),
        ],
        compiler_params=pltpu.CompilerParams(use_tc_tiling_on_sc=False),
    )
    def k(x_hbm, lut_hbm, out_hbm, idx_v, rows_v, gsem, osem):
        wid = lax.axis_index("s") * NC + lax.axis_index("c")
        xbase = pl.multiple_of(wid * xrows_w, 8)
        obase = pl.multiple_of(wid * per_w, CH)

        pltpu.sync_copy(x_hbm.at[pl.ds(xbase, xrows_w)], idx_v)

        def gather_descs(g):
            slot = lax.rem(g, NBUF)
            roff = pl.multiple_of(slot * CH, CH)
            return [
                pltpu.make_async_copy(
                    lut_hbm.at[idx_v.at[g * K + j]],
                    rows_v.at[pl.ds(roff + j * IDX_W, IDX_W)],
                    gsem.at[slot],
                )
                for j in range(K)
            ]

        def out_desc(g):
            slot = lax.rem(g, NBUF)
            roff = pl.multiple_of(slot * CH, CH)
            ooff = pl.multiple_of(obase + g * CH, CH)
            return pltpu.make_async_copy(
                rows_v.at[pl.ds(roff, CH)],
                out_hbm.at[pl.ds(ooff, CH), pl.ds(0, D)],
                osem.at[slot],
            )

        def fire_gathers(g):
            for cp in gather_descs(g):
                cp.start()

        def drain_gathers(g):
            slot = lax.rem(g, NBUF)
            roff = pl.multiple_of(slot * CH, CH)
            pltpu.make_async_copy(
                lut_hbm.at[pl.ds(0, CH)],
                rows_v.at[pl.ds(roff, CH)],
                gsem.at[slot],
            ).wait()

        fire_gathers(0)
        fire_gathers(1)

        @pl.loop(0, nch)
        def it(g):
            nxt = g + 2

            @pl.when(nxt < nch)
            def _prefetch():
                @pl.when(nxt >= NBUF)
                def _drain_old_out():
                    out_desc(nxt - NBUF).wait()

                fire_gathers(nxt)

            drain_gathers(g)

            slot = lax.rem(g, NBUF)
            roff = pl.multiple_of(slot * CH, CH)

            @pl.loop(0, CH, unroll=8)
            def srow(i):
                for j in range(D // 16):
                    sl = pl.ds(j * 16, 16)
                    rows_v[roff + i, sl] = rows_v[roff + i, sl] * SCALE

            out_desc(g).start()

        for t in range(nch - NBUF, nch):
            out_desc(t).wait()

    return k


def kernel(x, lut):
    s0, s1 = x.shape
    B = s0 * s1
    xf = x.reshape(B // IDX_W, IDX_W).astype(jnp.int32)
    out_pad = _make_gather(B)(xf, lut)
    return out_pad[:, :D].reshape(s0, s1, D)

# --- scband reference (transcript-rebuilt; emitter-appended) ---
"""Pipeline reference for scband-embeddings-32710470927022 (READ-ONLY COPY).

The authoritative reference and input builder live on the scoring server;
editing this copy changes nothing except your own understanding.
"""

import jax, jax.numpy as jnp
import numpy as np
import math

D_MODEL = 64
VOCAB = 1000000

def setup_inputs(seed: int = 0) -> dict:
    key = jax.random.key(seed)
    k1, k2 = jax.random.split(key)
    x = jax.random.randint(k1, (4096, 200), 0, VOCAB, dtype=jnp.int64 if jax.config.jax_enable_x64 else jnp.int32)
    lut = jax.random.normal(k2, (VOCAB, D_MODEL), dtype=jnp.float32)
    return {"x": x, "lut": lut}

def reference(x, lut):
    # Faithful translation of: self.lut(x) * math.sqrt(self.d_model)
    emb = jnp.take(lut, x, axis=0)
    return emb * math.sqrt(D_MODEL)

if __name__ == "__main__":
    import jax
    _d = setup_inputs()
    print(jax.jit(kernel)(*tuple(_d.values())))

</pallas_src>

<mosaic_0001>
#map = affine_map<(d0, d1) -> (0, 0)>
module attributes {stable_mosaic.version = 14 : i64} {
  func.func @k(%arg0: i32, %arg1: i32, %arg2: memref<6400x128xi32, #tpu.memory_space<hbm>>, %arg3: memref<1000000x64xf32, #tpu.memory_space<hbm>>, %arg4: memref<819200x128xf32, #tpu.memory_space<hbm>>, %arg5: memref<200x128xi32, #tpu.memory_space<vmem>>, %arg6: memref<1536x64xf32, #tpu.memory_space<vmem>>, %arg7: memref<3x!tpu.dma_semaphore, #tpu.memory_space<semaphore_mem>>, %arg8: memref<3x!tpu.dma_semaphore, #tpu.memory_space<semaphore_mem>>) attributes {dimension_semantics = [#tpu.dimension_semantics<core_parallel>, #tpu.dimension_semantics<subcore_parallel>], iteration_bounds = array<i64: 2, 16>, scalar_prefetch = 0 : i64, scratch_operands = 4 : i64, tpu.core_type = #tpu.core_type<sc_vector_subcore>, window_params = [{transform_indices = #map}, {transform_indices = #map}, {transform_indices = #map}]} {
    %mul3A = arith.constant 2 : i32
    %mul3A_0 = arith.muli %arg1, %mul3A : i32
    %add3A = arith.addi %mul3A_0, %arg0 : i32
    %mul3A_1 = arith.constant 200 : i32
    %mul3A_2 = arith.muli %add3A, %mul3A_1 : i32
    %multiple_of3A = tpu.assume_multiple %mul3A_2, 8 : i32
    %mul3A_3 = arith.constant 25600 : i32
    %mul3A_4 = arith.muli %add3A, %mul3A_3 : i32
    %multiple_of3A_5 = tpu.assume_multiple %mul3A_4, 512 : i32
    "tpu.region"() ({
      %run_scoped3A = tpu.sem_alloc : memref<!tpu.dma_semaphore, #tpu.memory_space<semaphore_mem>>
      %dma_start3A_180 = arith.constant 0 : i32
      %dma_start3A_181 = tpu.memref_slice %arg2[%multiple_of3A, %dma_start3A_180] : memref<6400x128xi32, #tpu.memory_space<hbm>> -> memref<200x128xi32, #tpu.memory_space<hbm>>
      %dma_start3A_182 = arith.constant 0 : i32
      %dma_start3A_183 = tpu.memref_slice %arg2[%multiple_of3A, %dma_start3A_182] : memref<6400x128xi32, #tpu.memory_space<hbm>> -> memref<200x128xi32, #tpu.memory_space<hbm>>
      tpu.enqueue_dma source(%dma_start3A_183 : memref<200x128xi32, #tpu.memory_space<hbm>>) target(%arg5 : memref<200x128xi32, #tpu.memory_space<vmem>>) target_semaphore(%run_scoped3A : memref<!tpu.dma_semaphore, #tpu.memory_space<semaphore_mem>>)
      %dma_wait3A_184 = arith.constant 0 : i32
      %dma_wait3A_185 = tpu.memref_slice %arg2[%multiple_of3A, %dma_wait3A_184] : memref<6400x128xi32, #tpu.memory_space<hbm>> -> memref<200x128xi32, #tpu.memory_space<hbm>>
      %dma_wait3A_186 = arith.constant 0 : i32
      %dma_wait3A_187 = tpu.memref_slice %arg2[%multiple_of3A, %dma_wait3A_186] : memref<6400x128xi32, #tpu.memory_space<hbm>> -> memref<200x128xi32, #tpu.memory_space<hbm>>
      tpu.wait_dma2 semaphore(%run_scoped3A : memref<!tpu.dma_semaphore, #tpu.memory_space<semaphore_mem>>) src(%dma_wait3A_187 : memref<200x128xi32, #tpu.memory_space<hbm>>) dst(%arg5 : memref<200x128xi32, #tpu.memory_space<vmem>>)
      tpu.yield
    }) : () -> ()
    %rem3A = arith.constant 0 : i32
    %rem3A_6 = arith.constant 3 : i32
    %rem3A_7 = arith.remsi %rem3A, %rem3A_6 : i32
    %mul3A_8 = arith.constant 512 : i32
    %mul3A_9 = arith.muli %rem3A_7, %mul3A_8 : i32
    %multiple_of3A_10 = tpu.assume_multiple %mul3A_9, 512 : i32
    %add3A_11 = arith.constant 0 : i32
    %add3A_12 = arith.addi %multiple_of3A_10, %add3A_11 : i32
    %add3A_13 = arith.constant 128 : i32
    %add3A_14 = arith.addi %multiple_of3A_10, %add3A_13 : i32
    %add3A_15 = arith.constant 256 : i32
    %add3A_16 = arith.addi %multiple_of3A_10, %add3A_15 : i32
    %add3A_17 = arith.constant 384 : i32
    %add3A_18 = arith.addi %multiple_of3A_10, %add3A_17 : i32
    %dma_start3A = arith.constant 0 : i32
    %dma_start3A_19 = arith.constant 0 : i32
    %dma_start3A_20 = tpu.memref_slice %arg6[%add3A_12, %dma_start3A_19] : memref<1536x64xf32, #tpu.memory_space<vmem>> -> memref<128x64xf32, #tpu.memory_space<vmem>>
    %dma_start3A_21 = arith.constant 0 : i32
    %dma_start3A_22 = tpu.memref_slice %arg5[%dma_start3A, %dma_start3A_21] : memref<200x128xi32, #tpu.memory_space<vmem>> -> memref<1x128xi32, #tpu.memory_space<vmem>>
    %dma_start3A_23 = tpu.memref_squeeze %dma_start3A_22 : memref<1x128xi32, #tpu.memory_space<vmem>> -> memref<128xi32, #tpu.memory_space<vmem>>
    %dma_start3A_24 = arith.constant 0 : i32
    %dma_start3A_25 = arith.constant 0 : i32
    %dma_start3A_26 = tpu.memref_slice %arg3[%dma_start3A_24, %dma_start3A_25] : memref<1000000x64xf32, #tpu.memory_space<hbm>> -> memref<1000000x64xf32, #tpu.memory_space<hbm>>
    %dma_start3A_27 = tpu.memref_slice %arg7[%rem3A_7] : memref<3x!tpu.dma_semaphore, #tpu.memory_space<semaphore_mem>> -> memref<1x!tpu.dma_semaphore, #tpu.memory_space<semaphore_mem>>
    %dma_start3A_28 = tpu.memref_squeeze %dma_start3A_27 : memref<1x!tpu.dma_semaphore, #tpu.memory_space<semaphore_mem>> -> memref<!tpu.dma_semaphore, #tpu.memory_space<semaphore_mem>>
    tpu.enqueue_indirect_dma source(%dma_start3A_26 : memref<1000000x64xf32, #tpu.memory_space<hbm>>) target(%dma_start3A_20 : memref<128x64xf32, #tpu.memory_space<vmem>>) offsets(%dma_start3A_23 : memref<128xi32, #tpu.memory_space<vmem>>) semaphore(%dma_start3A_28 : memref<!tpu.dma_semaphore, #tpu.memory_space<semaphore_mem>>)
    %dma_start3A_29 = arith.constant 1 : i32
    %dma_start3A_30 = arith.constant 0 : i32
    %dma_start3A_31 = tpu.memref_slice %arg6[%add3A_14, %dma_start3A_30] : memref<1536x64xf32, #tpu.memory_space<vmem>> -> memref<128x64xf32, #tpu.memory_space<vmem>>
    %dma_start3A_32 = arith.constant 0 : i32
    %dma_start3A_33 = tpu.memref_slice %arg5[%dma_start3A_29, %dma_start3A_32] : memref<200x128xi32, #tpu.memory_space<vmem>> -> memref<1x128xi32, #tpu.memory_space<vmem>>
    %dma_start3A_34 = tpu.memref_squeeze %dma_start3A_33 : memref<1x128xi32, #tpu.memory_space<vmem>> -> memref<128xi32, #tpu.memory_space<vmem>>
    %dma_start3A_35 = arith.constant 0 : i32
    %dma_start3A_36 = arith.constant 0 : i32
    %dma_start3A_37 = tpu.memref_slice %arg3[%dma_start3A_35, %dma_start3A_36] : memref<1000000x64xf32, #tpu.memory_space<hbm>> -> memref<1000000x64xf32, #tpu.memory_space<hbm>>
    %dma_start3A_38 = tpu.memref_slice %arg7[%rem3A_7] : memref<3x!tpu.dma_semaphore, #tpu.memory_space<semaphore_mem>> -> memref<1x!tpu.dma_semaphore, #tpu.memory_space<semaphore_mem>>
    %dma_start3A_39 = tpu.memref_squeeze %dma_start3A_38 : memref<1x!tpu.dma_semaphore, #tpu.memory_space<semaphore_mem>> -> memref<!tpu.dma_semaphore, #tpu.memory_space<semaphore_mem>>
    tpu.enqueue_indirect_dma source(%dma_start3A_37 : memref<1000000x64xf32, #tpu.memory_space<hbm>>) target(%dma_start3A_31 : memref<128x64xf32, #tpu.memory_space<vmem>>) offsets(%dma_start3A_34 : memref<128xi32, #tpu.memory_space<vmem>>) semaphore(%dma_start3A_39 : memref<!tpu.dma_semaphore, #tpu.memory_space<semaphore_mem>>)
    %dma_start3A_40 = arith.constant 2 : i32
    %dma_start3A_41 = arith.constant 0 : i32
    %dma_start3A_42 = tpu.memref_slice %arg6[%add3A_16, %dma_start3A_41] : memref<1536x64xf32, #tpu.memory_space<vmem>> -> memref<128x64xf32, #tpu.memory_space<vmem>>
    %dma_start3A_43 = arith.constant 0 : i32
    %dma_start3A_44 = tpu.memref_slice %arg5[%dma_start3A_40, %dma_start3A_43] : memref<200x128xi32, #tpu.memory_space<vmem>> -> memref<1x128xi32, #tpu.memory_space<vmem>>
    %dma_start3A_45 = tpu.memref_squeeze %dma_start3A_44 : memref<1x128xi32, #tpu.memory_space<vmem>> -> memref<128xi32, #tpu.memory_space<vmem>>
    %dma_start3A_46 = arith.constant 0 : i32
    %dma_start3A_47 = arith.constant 0 : i32
    %dma_start3A_48 = tpu.memref_slice %arg3[%dma_start3A_46, %dma_start3A_47] : memref<1000000x64xf32, #tpu.memory_space<hbm>> -> memref<1000000x64xf32, #tpu.memory_space<hbm>>
    %dma_start3A_49 = tpu.memref_slice %arg7[%rem3A_7] : memref<3x!tpu.dma_semaphore, #tpu.memory_space<semaphore_mem>> -> memref<1x!tpu.dma_semaphore, #tpu.memory_space<semaphore_mem>>
    %dma_start3A_50 = tpu.memref_squeeze %dma_start3A_49 : memref<1x!tpu.dma_semaphore, #tpu.memory_space<semaphore_mem>> -> memref<!tpu.dma_semaphore, #tpu.memory_space<semaphore_mem>>
    tpu.enqueue_indirect_dma source(%dma_start3A_48 : memref<1000000x64xf32, #tpu.memory_space<hbm>>) target(%dma_start3A_42 : memref<128x64xf32, #tpu.memory_space<vmem>>) offsets(%dma_start3A_45 : memref<128xi32, #tpu.memory_space<vmem>>) semaphore(%dma_start3A_50 : memref<!tpu.dma_semaphore, #tpu.memory_space<semaphore_mem>>)
    %dma_start3A_51 = arith.constant 3 : i32
    %dma_start3A_52 = arith.constant 0 : i32
    %dma_start3A_53 = tpu.memref_slice %arg6[%add3A_18, %dma_start3A_52] : memref<1536x64xf32, #tpu.memory_space<vmem>> -> memref<128x64xf32, #tpu.memory_space<vmem>>
    %dma_start3A_54 = arith.constant 0 : i32
    %dma_start3A_55 = tpu.memref_slice %arg5[%dma_start3A_51, %dma_start3A_54] : memref<200x128xi32, #tpu.memory_space<vmem>> -> memref<1x128xi32, #tpu.memory_space<vmem>>
    %dma_start3A_56 = tpu.memref_squeeze %dma_start3A_55 : memref<1x128xi32, #tpu.memory_space<vmem>> -> memref<128xi32, #tpu.memory_space<vmem>>
    %dma_start3A_57 = arith.constant 0 : i32
    %dma_start3A_58 = arith.constant 0 : i32
    %dma_start3A_59 = tpu.memref_slice %arg3[%dma_start3A_57, %dma_start3A_58] : memref<1000000x64xf32, #tpu.memory_space<hbm>> -> memref<1000000x64xf32, #tpu.memory_space<hbm>>
    %dma_start3A_60 = tpu.memref_slice %arg7[%rem3A_7] : memref<3x!tpu.dma_semaphore, #tpu.memory_space<semaphore_mem>> -> memref<1x!tpu.dma_semaphore, #tpu.memory_space<semaphore_mem>>
    %dma_start3A_61 = tpu.memref_squeeze %dma_start3A_60 : memref<1x!tpu.dma_semaphore, #tpu.memory_space<semaphore_mem>> -> memref<!tpu.dma_semaphore, #tpu.memory_space<semaphore_mem>>
    tpu.enqueue_indirect_dma source(%dma_start3A_59 : memref<1000000x64xf32, #tpu.memory_space<hbm>>) target(%dma_start3A_53 : memref<128x64xf32, #tpu.memory_space<vmem>>) offsets(%dma_start3A_56 : memref<128xi32, #tpu.memory_space<vmem>>) semaphore(%dma_start3A_61 : memref<!tpu.dma_semaphore, #tpu.memory_space<semaphore_mem>>)
    %rem3A_62 = arith.constant 1 : i32
    %rem3A_63 = arith.constant 3 : i32
    %rem3A_64 = arith.remsi %rem3A_62, %rem3A_63 : i32
    %mul3A_65 = arith.constant 512 : i32
    %mul3A_66 = arith.muli %rem3A_64, %mul3A_65 : i32
    %multiple_of3A_67 = tpu.assume_multiple %mul3A_66, 512 : i32
    %add3A_68 = arith.constant 0 : i32
    %add3A_69 = arith.addi %multiple_of3A_67, %add3A_68 : i32
    %add3A_70 = arith.constant 128 : i32
    %add3A_71 = arith.addi %multiple_of3A_67, %add3A_70 : i32
    %add3A_72 = arith.constant 256 : i32
    %add3A_73 = arith.addi %multiple_of3A_67, %add3A_72 : i32
    %add3A_74 = arith.constant 384 : i32
    %add3A_75 = arith.addi %multiple_of3A_67, %add3A_74 : i32
    %dma_start3A_76 = arith.constant 4 : i32
    %dma_start3A_77 = arith.constant 0 : i32
    %dma_start3A_78 = tpu.memref_slice %arg6[%add3A_69, %dma_start3A_77] : memref<1536x64xf32, #tpu.memory_space<vmem>> -> memref<128x64xf32, #tpu.memory_space<vmem>>
    %dma_start3A_79 = arith.constant 0 : i32
    %dma_start3A_80 = tpu.memref_slice %arg5[%dma_start3A_76, %dma_start3A_79] : memref<200x128xi32, #tpu.memory_space<vmem>> -> memref<1x128xi32, #tpu.memory_space<vmem>>
    %dma_start3A_81 = tpu.memref_squeeze %dma_start3A_80 : memref<1x128xi32, #tpu.memory_space<vmem>> -> memref<128xi32, #tpu.memory_space<vmem>>
    %dma_start3A_82 = arith.constant 0 : i32
    %dma_start3A_83 = arith.constant 0 : i32
    %dma_start3A_84 = tpu.memref_slice %arg3[%dma_start3A_82, %dma_start3A_83] : memref<1000000x64xf32, #tpu.memory_space<hbm>> -> memref<1000000x64xf32, #tpu.memory_space<hbm>>
    %dma_start3A_85 = tpu.memref_slice %arg7[%rem3A_64] : memref<3x!tpu.dma_semaphore, #tpu.memory_space<semaphore_mem>> -> memref<1x!tpu.dma_semaphore, #tpu.memory_space<semaphore_mem>>
    %dma_start3A_86 = tpu.memref_squeeze %dma_start3A_85 : memref<1x!tpu.dma_semaphore, #tpu.memory_space<semaphore_mem>> -> memref<!tpu.dma_semaphore, #tpu.memory_space<semaphore_mem>>
    tpu.enqueue_indirect_dma source(%dma_start3A_84 : memref<1000000x64xf32, #tpu.memory_space<hbm>>) target(%dma_start3A_78 : memref<128x64xf32, #tpu.memory_space<vmem>>) offsets(%dma_start3A_81 : memref<128xi32, #tpu.memory_space<vmem>>) semaphore(%dma_start3A_86 : memref<!tpu.dma_semaphore, #tpu.memory_space<semaphore_mem>>)
    %dma_start3A_87 = arith.constant 5 : i32
    %dma_start3A_88 = arith.constant 0 : i32
    %dma_start3A_89 = tpu.memref_slice %arg6[%add3A_71, %dma_start3A_88] : memref<1536x64xf32, #tpu.memory_space<vmem>> -> memref<128x64xf32, #tpu.memory_space<vmem>>
    %dma_start3A_90 = arith.constant 0 : i32
    %dma_start3A_91 = tpu.memref_slice %arg5[%dma_start3A_87, %dma_start3A_90] : memref<200x128xi32, #tpu.memory_space<vmem>> -> memref<1x128xi32, #tpu.memory_space<vmem>>
    %dma_start3A_92 = tpu.memref_squeeze %dma_start3A_91 : memref<1x128xi32, #tpu.memory_space<vmem>> -> memref<128xi32, #tpu.memory_space<vmem>>
    %dma_start3A_93 = arith.constant 0 : i32
    %dma_start3A_94 = arith.constant 0 : i32
    %dma_start3A_95 = tpu.memref_slice %arg3[%dma_start3A_93, %dma_start3A_94] : memref<1000000x64xf32, #tpu.memory_space<hbm>> -> memref<1000000x64xf32, #tpu.memory_space<hbm>>
    %dma_start3A_96 = tpu.memref_slice %arg7[%rem3A_64] : memref<3x!tpu.dma_semaphore, #tpu.memory_space<semaphore_mem>> -> memref<1x!tpu.dma_semaphore, #tpu.memory_space<semaphore_mem>>
    %dma_start3A_97 = tpu.memref_squeeze %dma_start3A_96 : memref<1x!tpu.dma_semaphore, #tpu.memory_space<semaphore_mem>> -> memref<!tpu.dma_semaphore, #tpu.memory_space<semaphore_mem>>
    tpu.enqueue_indirect_dma source(%dma_start3A_95 : memref<1000000x64xf32, #tpu.memory_space<hbm>>) target(%dma_start3A_89 : memref<128x64xf32, #tpu.memory_space<vmem>>) offsets(%dma_start3A_92 : memref<128xi32, #tpu.memory_space<vmem>>) semaphore(%dma_start3A_97 : memref<!tpu.dma_semaphore, #tpu.memory_space<semaphore_mem>>)
    %dma_start3A_98 = arith.constant 6 : i32
    %dma_start3A_99 = arith.constant 0 : i32
    %dma_start3A_100 = tpu.memref_slice %arg6[%add3A_73, %dma_start3A_99] : memref<1536x64xf32, #tpu.memory_space<vmem>> -> memref<128x64xf32, #tpu.memory_space<vmem>>
    %dma_start3A_101 = arith.constant 0 : i32
    %dma_start3A_102 = tpu.memref_slice %arg5[%dma_start3A_98, %dma_start3A_101] : memref<200x128xi32, #tpu.memory_space<vmem>> -> memref<1x128xi32, #tpu.memory_space<vmem>>
    %dma_start3A_103 = tpu.memref_squeeze %dma_start3A_102 : memref<1x128xi32, #tpu.memory_space<vmem>> -> memref<128xi32, #tpu.memory_space<vmem>>
    %dma_start3A_104 = arith.constant 0 : i32
    %dma_start3A_105 = arith.constant 0 : i32
    %dma_start3A_106 = tpu.memref_slice %arg3[%dma_start3A_104, %dma_start3A_105] : memref<1000000x64xf32, #tpu.memory_space<hbm>> -> memref<1000000x64xf32, #tpu.memory_space<hbm>>
    %dma_start3A_107 = tpu.memref_slice %arg7[%rem3A_64] : memref<3x!tpu.dma_semaphore, #tpu.memory_space<semaphore_mem>> -> memref<1x!tpu.dma_semaphore, #tpu.memory_space<semaphore_mem>>
    %dma_start3A_108 = tpu.memref_squeeze %dma_start3A_107 : memref<1x!tpu.dma_semaphore, #tpu.memory_space<semaphore_mem>> -> memref<!tpu.dma_semaphore, #tpu.memory_space<semaphore_mem>>
    tpu.enqueue_indirect_dma source(%dma_start3A_106 : memref<1000000x64xf32, #tpu.memory_space<hbm>>) target(%dma_start3A_100 : memref<128x64xf32, #tpu.memory_space<vmem>>) offsets(%dma_start3A_103 : memref<128xi32, #tpu.memory_space<vmem>>) semaphore(%dma_start3A_108 : memref<!tpu.dma_semaphore, #tpu.memory_space<semaphore_mem>>)
    %dma_start3A_109 = arith.constant 7 : i32
    %dma_start3A_110 = arith.constant 0 : i32
    %dma_start3A_111 = tpu.memref_slice %arg6[%add3A_75, %dma_start3A_110] : memref<1536x64xf32, #tpu.memory_space<vmem>> -> memref<128x64xf32, #tpu.memory_space<vmem>>
    %dma_start3A_112 = arith.constant 0 : i32
    %dma_start3A_113 = tpu.memref_slice %arg5[%dma_start3A_109, %dma_start3A_112] : memref<200x128xi32, #tpu.memory_space<vmem>> -> memref<1x128xi32, #tpu.memory_space<vmem>>
    %dma_start3A_114 = tpu.memref_squeeze %dma_start3A_113 : memref<1x128xi32, #tpu.memory_space<vmem>> -> memref<128xi32, #tpu.memory_space<vmem>>
    %dma_start3A_115 = arith.constant 0 : i32
    %dma_start3A_116 = arith.constant 0 : i32
    %dma_start3A_117 = tpu.memref_slice %arg3[%dma_start3A_115, %dma_start3A_116] : memref<1000000x64xf32, #tpu.memory_space<hbm>> -> memref<1000000x64xf32, #tpu.memory_space<hbm>>
    %dma_start3A_118 = tpu.memref_slice %arg7[%rem3A_64] : memref<3x!tpu.dma_semaphore, #tpu.memory_space<semaphore_mem>> -> memref<1x!tpu.dma_semaphore, #tpu.memory_space<semaphore_mem>>
    %dma_start3A_119 = tpu.memref_squeeze %dma_start3A_118 : memref<1x!tpu.dma_semaphore, #tpu.memory_space<semaphore_mem>> -> memref<!tpu.dma_semaphore, #tpu.memory_space<semaphore_mem>>
    tpu.enqueue_indirect_dma source(%dma_start3A_117 : memref<1000000x64xf32, #tpu.memory_space<hbm>>) target(%dma_start3A_111 : memref<128x64xf32, #tpu.memory_space<vmem>>) offsets(%dma_start3A_114 : memref<128xi32, #tpu.memory_space<vmem>>) semaphore(%dma_start3A_119 : memref<!tpu.dma_semaphore, #tpu.memory_space<semaphore_mem>>)
    %scan3A = arith.constant 0 : i32
    %scan3A_120 = arith.constant 50 : i32
    %scan3A_121 = arith.addi %scan3A, %scan3A_120 : i32
    %scan3A_122 = arith.constant 1 : i32
    scf.for %scan3A_180 = %scan3A to %scan3A_121 step %scan3A_122  : i32 {
      %mul3A_181 = arith.constant 1 : i32
      %mul3A_182 = arith.muli %scan3A_180, %mul3A_181 : i32
      %add3A_183 = arith.constant 0 : i32
      %add3A_184 = arith.addi %add3A_183, %mul3A_182 : i32
      %add3A_185 = arith.constant 2 : i32
      %add3A_186 = arith.addi %add3A_184, %add3A_185 : i32
      %lt3A = arith.constant 50 : i32
      %lt3A_187 = arith.cmpi slt, %add3A_186, %lt3A : i32
      %convert_element_type3A = arith.extui %lt3A_187 : i1 to i32
      %cond3A = arith.constant 0 : i32
      %cond3A_188 = arith.cmpi ne, %convert_element_type3A, %cond3A : i32
      scf.if %cond3A_188 {
        %ge3A = arith.constant 3 : i32
        %ge3A_235 = arith.cmpi sge, %add3A_186, %ge3A : i32
        %convert_element_type3A_236 = arith.extui %ge3A_235 : i1 to i32
        %cond3A_237 = arith.constant 0 : i32
        %cond3A_238 = arith.cmpi ne, %convert_element_type3A_236, %cond3A_237 : i32
        scf.if %cond3A_238 {
          %sub3A = arith.constant 3 : i32
          %sub3A_308 = arith.subi %add3A_186, %sub3A : i32
          %rem3A_309 = arith.constant 3 : i32
          %rem3A_310 = arith.remsi %sub3A_308, %rem3A_309 : i32
          %mul3A_311 = arith.constant 512 : i32
          %mul3A_312 = arith.muli %rem3A_310, %mul3A_311 : i32
          %multiple_of3A_313 = tpu.assume_multiple %mul3A_312, 512 : i32
          %mul3A_314 = arith.constant 512 : i32
          %mul3A_315 = arith.muli %sub3A_308, %mul3A_314 : i32
          %add3A_316 = arith.addi %multiple_of3A_5, %mul3A_315 : i32
          %multiple_of3A_317 = tpu.assume_multiple %add3A_316, 512 : i32
          %dma_wait3A_318 = arith.constant 0 : i32
          %dma_wait3A_319 = tpu.memref_slice %arg6[%multiple_of3A_313, %dma_wait3A_318] : memref<1536x64xf32, #tpu.memory_space<vmem>> -> memref<512x64xf32, #tpu.memory_space<vmem>>
          %dma_wait3A_320 = arith.constant 0 : i32
          %dma_wait3A_321 = tpu.memref_slice %arg4[%multiple_of3A_317, %dma_wait3A_320] : memref<819200x128xf32, #tpu.memory_space<hbm>> -> memref<512x64xf32, #tpu.memory_space<hbm>>
          %dma_wait3A_322 = tpu.memref_slice %arg8[%rem3A_310] : memref<3x!tpu.dma_semaphore, #tpu.memory_space<semaphore_mem>> -> memref<1x!tpu.dma_semaphore, #tpu.memory_space<semaphore_mem>>
          %dma_wait3A_323 = tpu.memref_squeeze %dma_wait3A_322 : memref<1x!tpu.dma_semaphore, #tpu.memory_space<semaphore_mem>> -> memref<!tpu.dma_semaphore, #tpu.memory_space<semaphore_mem>>
          %dma_wait3A_324 = arith.constant 0 : i32
          %dma_wait3A_325 = tpu.memref_slice %arg4[%multiple_of3A_317, %dma_wait3A_324] : memref<819200x128xf32, #tpu.memory_space<hbm>> -> memref<512x64xf32, #tpu.memory_space<hbm>>
          %dma_wait3A_326 = arith.constant 0 : i32
          %dma_wait3A_327 = tpu.memref_slice %arg6[%multiple_of3A_313, %dma_wait3A_326] : memref<1536x64xf32, #tpu.memory_space<vmem>> -> memref<512x64xf32, #tpu.memory_space<vmem>>
          tpu.wait_dma2 semaphore(%dma_wait3A_323 : memref<!tpu.dma_semaphore, #tpu.memory_space<semaphore_mem>>) src(%dma_wait3A_327 : memref<512x64xf32, #tpu.memory_space<vmem>>) dst(%dma_wait3A_325 : memref<512x64xf32, #tpu.memory_space<hbm>>)
        } else {
        }
        %rem3A_239 = arith.constant 3 : i32
        %rem3A_240 = arith.remsi %add3A_186, %rem3A_239 : i32
        %mul3A_241 = arith.constant 512 : i32
        %mul3A_242 = arith.muli %rem3A_240, %mul3A_241 : i32
        %multiple_of3A_243 = tpu.assume_multiple %mul3A_242, 512 : i32
        %mul3A_244 = arith.constant 4 : i32
        %mul3A_245 = arith.muli %add3A_186, %mul3A_244 : i32
        %add3A_246 = arith.constant 0 : i32
        %add3A_247 = arith.addi %mul3A_245, %add3A_246 : i32
        %add3A_248 = arith.constant 0 : i32
        %add3A_249 = arith.addi %multiple_of3A_243, %add3A_248 : i32
        %mul3A_250 = arith.constant 4 : i32
        %mul3A_251 = arith.muli %add3A_186, %mul3A_250 : i32
        %add3A_252 = arith.constant 1 : i32
        %add3A_253 = arith.addi %mul3A_251, %add3A_252 : i32
        %add3A_254 = arith.constant 128 : i32
        %add3A_255 = arith.addi %multiple_of3A_243, %add3A_254 : i32
        %mul3A_256 = arith.constant 4 : i32
        %mul3A_257 = arith.muli %add3A_186, %mul3A_256 : i32
        %add3A_258 = arith.constant 2 : i32
        %add3A_259 = arith.addi %mul3A_257, %add3A_258 : i32
        %add3A_260 = arith.constant 256 : i32
        %add3A_261 = arith.addi %multiple_of3A_243, %add3A_260 : i32
        %mul3A_262 = arith.constant 4 : i32
        %mul3A_263 = arith.muli %add3A_186, %mul3A_262 : i32
        %add3A_264 = arith.constant 3 : i32
        %add3A_265 = arith.addi %mul3A_263, %add3A_264 : i32
        %add3A_266 = arith.constant 384 : i32
        %add3A_267 = arith.addi %multiple_of3A_243, %add3A_266 : i32
        %dma_start3A_268 = arith.constant 0 : i32
        %dma_start3A_269 = tpu.memref_slice %arg6[%add3A_249, %dma_start3A_268] : memref<1536x64xf32, #tpu.memory_space<vmem>> -> memref<128x64xf32, #tpu.memory_space<vmem>>
        %dma_start3A_270 = arith.constant 0 : i32
        %dma_start3A_271 = tpu.memref_slice %arg5[%add3A_247, %dma_start3A_270] : memref<200x128xi32, #tpu.memory_space<vmem>> -> memref<1x128xi32, #tpu.memory_space<vmem>>
        %dma_start3A_272 = tpu.memref_squeeze %dma_start3A_271 : memref<1x128xi32, #tpu.memory_space<vmem>> -> memref<128xi32, #tpu.memory_space<vmem>>
        %dma_start3A_273 = arith.constant 0 : i32
        %dma_start3A_274 = arith.constant 0 : i32
        %dma_start3A_275 = tpu.memref_slice %arg3[%dma_start3A_273, %dma_start3A_274] : memref<1000000x64xf32, #tpu.memory_space<hbm>> -> memref<1000000x64xf32, #tpu.memory_space<hbm>>
        %dma_start3A_276 = tpu.memref_slice %arg7[%rem3A_240] : memref<3x!tpu.dma_semaphore, #tpu.memory_space<semaphore_mem>> -> memref<1x!tpu.dma_semaphore, #tpu.memory_space<semaphore_mem>>
        %dma_start3A_277 = tpu.memref_squeeze %dma_start3A_276 : memref<1x!tpu.dma_semaphore, #tpu.memory_space<semaphore_mem>> -> memref<!tpu.dma_semaphore, #tpu.memory_space<semaphore_mem>>
        tpu.enqueue_indirect_dma source(%dma_start3A_275 : memref<1000000x64xf32, #tpu.memory_space<hbm>>) target(%dma_start3A_269 : memref<128x64xf32, #tpu.memory_space<vmem>>) offsets(%dma_start3A_272 : memref<128xi32, #tpu.memory_space<vmem>>) semaphore(%dma_start3A_277 : memref<!tpu.dma_semaphore, #tpu.memory_space<semaphore_mem>>)
        %dma_start3A_278 = arith.constant 0 : i32
        %dma_start3A_279 = tpu.memref_slice %arg6[%add3A_255, %dma_start3A_278] : memref<1536x64xf32, #tpu.memory_space<vmem>> -> memref<128x64xf32, #tpu.memory_space<vmem>>
        %dma_start3A_280 = arith.constant 0 : i32
        %dma_start3A_281 = tpu.memref_slice %arg5[%add3A_253, %dma_start3A_280] : memref<200x128xi32, #tpu.memory_space<vmem>> -> memref<1x128xi32, #tpu.memory_space<vmem>>
        %dma_start3A_282 = tpu.memref_squeeze %dma_start3A_281 : memref<1x128xi32, #tpu.memory_space<vmem>> -> memref<128xi32, #tpu.memory_space<vmem>>
        %dma_start3A_283 = arith.constant 0 : i32
        %dma_start3A_284 = arith.constant 0 : i32
        %dma_start3A_285 = tpu.memref_slice %arg3[%dma_start3A_283, %dma_start3A_284] : memref<1000000x64xf32, #tpu.memory_space<hbm>> -> memref<1000000x64xf32, #tpu.memory_space<hbm>>
        %dma_start3A_286 = tpu.memref_slice %arg7[%rem3A_240] : memref<3x!tpu.dma_semaphore, #tpu.memory_space<semaphore_mem>> -> memref<1x!tpu.dma_semaphore, #tpu.memory_space<semaphore_mem>>
        %dma_start3A_287 = tpu.memref_squeeze %dma_start3A_286 : memref<1x!tpu.dma_semaphore, #tpu.memory_space<semaphore_mem>> -> memref<!tpu.dma_semaphore, #tpu.memory_space<semaphore_mem>>
        tpu.enqueue_indirect_dma source(%dma_start3A_285 : memref<1000000x64xf32, #tpu.memory_space<hbm>>) target(%dma_start3A_279 : memref<128x64xf32, #tpu.memory_space<vmem>>) offsets(%dma_start3A_282 : memref<128xi32, #tpu.memory_space<vmem>>) semaphore(%dma_start3A_287 : memref<!tpu.dma_semaphore, #tpu.memory_space<semaphore_mem>>)
        %dma_start3A_288 = arith.constant 0 : i32
        %dma_start3A_289 = tpu.memref_slice %arg6[%add3A_261, %dma_start3A_288] : memref<1536x64xf32, #tpu.memory_space<vmem>> -> memref<128x64xf32, #tpu.memory_space<vmem>>
        %dma_start3A_290 = arith.constant 0 : i32
        %dma_start3A_291 = tpu.memref_slice %arg5[%add3A_259, %dma_start3A_290] : memref<200x128xi32, #tpu.memory_space<vmem>> -> memref<1x128xi32, #tpu.memory_space<vmem>>
        %dma_start3A_292 = tpu.memref_squeeze %dma_start3A_291 : memref<1x128xi32, #tpu.memory_space<vmem>> -> memref<128xi32, #tpu.memory_space<vmem>>
        %dma_start3A_293 = arith.constant 0 : i32
        %dma_start3A_294 = arith.constant 0 : i32
        %dma_start3A_295 = tpu.memref_slice %arg3[%dma_start3A_293, %dma_start3A_294] : memref<1000000x64xf32, #tpu.memory_space<hbm>> -> memref<1000000x64xf32, #tpu.memory_space<hbm>>
        %dma_start3A_296 = tpu.memref_slice %arg7[%rem3A_240] : memref<3x!tpu.dma_semaphore, #tpu.memory_space<semaphore_mem>> -> memref<1x!tpu.dma_semaphore, #tpu.memory_space<semaphore_mem>>
        %dma_start3A_297 = tpu.memref_squeeze %dma_start3A_296 : memref<1x!tpu.dma_semaphore, #tpu.memory_space<semaphore_mem>> -> memref<!tpu.dma_semaphore, #tpu.memory_space<semaphore_mem>>
        tpu.enqueue_indirect_dma source(%dma_start3A_295 : memref<1000000x64xf32, #tpu.memory_space<hbm>>) target(%dma_start3A_289 : memref<128x64xf32, #tpu.memory_space<vmem>>) offsets(%dma_start3A_292 : memref<128xi32, #tpu.memory_space<vmem>>) semaphore(%dma_start3A_297 : memref<!tpu.dma_semaphore, #tpu.memory_space<semaphore_mem>>)
        %dma_start3A_298 = arith.constant 0 : i32
        %dma_start3A_299 = tpu.memref_slice %arg6[%add3A_267, %dma_start3A_298] : memref<1536x64xf32, #tpu.memory_space<vmem>> -> memref<128x64xf32, #tpu.memory_space<vmem>>
        %dma_start3A_300 = arith.constant 0 : i32
        %dma_start3A_301 = tpu.memref_slice %arg5[%add3A_265, %dma_start3A_300] : memref<200x128xi32, #tpu.memory_space<vmem>> -> memref<1x128xi32, #tpu.memory_space<vmem>>
        %dma_start3A_302 = tpu.memref_squeeze %dma_start3A_301 : memref<1x128xi32, #tpu.memory_space<vmem>> -> memref<128xi32, #tpu.memory_space<vmem>>
        %dma_start3A_303 = arith.constant 0 : i32
        %dma_start3A_304 = arith.constant 0 : i32
        %dma_start3A_305 = tpu.memref_slice %arg3[%dma_start3A_303, %dma_start3A_304] : memref<1000000x64xf32, #tpu.memory_space<hbm>> -> memref<1000000x64xf32, #tpu.memory_space<hbm>>
        %dma_start3A_306 = tpu.memref_slice %arg7[%rem3A_240] : memref<3x!tpu.dma_semaphore, #tpu.memory_space<semaphore_mem>> -> memref<1x!tpu.dma_semaphore, #tpu.memory_space<semaphore_mem>>
        %dma_start3A_307 = tpu.memref_squeeze %dma_start3A_306 : memref<1x!tpu.dma_semaphore, #tpu.memory_space<semaphore_mem>> -> memref<!tpu.dma_semaphore, #tpu.memory_space<semaphore_mem>>
        tpu.enqueue_indirect_dma source(%dma_start3A_305 : memref<1000000x64xf32, #tpu.memory_space<hbm>>) target(%dma_start3A_299 : memref<128x64xf32, #tpu.memory_space<vmem>>) offsets(%dma_start3A_302 : memref<128xi32, #tpu.memory_space<vmem>>) semaphore(%dma_start3A_307 : memref<!tpu.dma_semaphore, #tpu.memory_space<semaphore_mem>>)
      } else {
      }
      %rem3A_189 = arith.constant 3 : i32
      %rem3A_190 = arith.remsi %add3A_184, %rem3A_189 : i32
      %mul3A_191 = arith.constant 512 : i32
      %mul3A_192 = arith.muli %rem3A_190, %mul3A_191 : i32
      %multiple_of3A_193 = tpu.assume_multiple %mul3A_192, 512 : i32
      %dma_wait3A_194 = arith.constant 0 : i32
      %dma_wait3A_195 = tpu.memref_slice %arg6[%multiple_of3A_193, %dma_wait3A_194] : memref<1536x64xf32, #tpu.memory_space<vmem>> -> memref<512x64xf32, #tpu.memory_space<vmem>>
      %dma_wait3A_196 = arith.constant 0 : i32
      %dma_wait3A_197 = arith.constant 0 : i32
      %dma_wait3A_198 = tpu.memref_slice %arg3[%dma_wait3A_196, %dma_wait3A_197] : memref<1000000x64xf32, #tpu.memory_space<hbm>> -> memref<512x64xf32, #tpu.memory_space<hbm>>
      %dma_wait3A_199 = tpu.memref_slice %arg7[%rem3A_190] : memref<3x!tpu.dma_semaphore, #tpu.memory_space<semaphore_mem>> -> memref<1x!tpu.dma_semaphore, #tpu.memory_space<semaphore_mem>>
      %dma_wait3A_200 = tpu.memref_squeeze %dma_wait3A_199 : memref<1x!tpu.dma_semaphore, #tpu.memory_space<semaphore_mem>> -> memref<!tpu.dma_semaphore, #tpu.memory_space<semaphore_mem>>
      %dma_wait3A_201 = arith.constant 0 : i32
      %dma_wait3A_202 = tpu.memref_slice %arg6[%multiple_of3A_193, %dma_wait3A_201] : memref<1536x64xf32, #tpu.memory_space<vmem>> -> memref<512x64xf32, #tpu.memory_space<vmem>>
      %dma_wait3A_203 = arith.constant 0 : i32
      %dma_wait3A_204 = arith.constant 0 : i32
      %dma_wait3A_205 = tpu.memref_slice %arg3[%dma_wait3A_203, %dma_wait3A_204] : memref<1000000x64xf32, #tpu.memory_space<hbm>> -> memref<512x64xf32, #tpu.memory_space<hbm>>
      tpu.wait_dma2 semaphore(%dma_wait3A_200 : memref<!tpu.dma_semaphore, #tpu.memory_space<semaphore_mem>>) src(%dma_wait3A_205 : memref<512x64xf32, #tpu.memory_space<hbm>>) dst(%dma_wait3A_202 : memref<512x64xf32, #tpu.memory_space<vmem>>)
      %rem3A_206 = arith.constant 3 : i32
      %rem3A_207 = arith.remsi %add3A_184, %rem3A_206 : i32
      %mul3A_208 = arith.constant 512 : i32
      %mul3A_209 = arith.muli %rem3A_207, %mul3A_208 : i32
      %multiple_of3A_210 = tpu.assume_multiple %mul3A_209, 512 : i32
      %scan3A_211 = arith.constant 0 : i32
      %scan3A_212 = arith.constant 512 : i32
      %scan3A_213 = arith.addi %scan3A_211, %scan3A_212 : i32
      %scan3A_214 = arith.constant 8 : i32
      scf.for %scan3A_235 = %scan3A_211 to %scan3A_213 step %scan3A_214  : i32 {
        %mul3A_236 = arith.constant 1 : i32
        %mul3A_237 = arith.muli %scan3A_235, %mul3A_236 : i32
        %add3A_238 = arith.constant 0 : i32
        %add3A_239 = arith.addi %add3A_238, %mul3A_237 : i32
        %add3A_240 = arith.addi %multiple_of3A_210, %add3A_239 : i32
        %get3A = arith.index_cast %add3A_240 : i32 to index
        %get3A_241 = arith.constant 0 : index
        %get3A_242 = tpu.vector_load %arg6[%get3A, %get3A_241] {strides = array<i32>} : memref<1536x64xf32, #tpu.memory_space<vmem>>, vector<1x16xf32>,
        %get3A_243 = vector.shape_cast %get3A_242 : vector<1x16xf32> to vector<16xf32>
        %mul3A_244 = arith.constant 8.000000e+00 : f32
        %mul3A_245 = vector.broadcast %mul3A_244 : f32 to vector<16xf32>
        %mul3A_246 = arith.mulf %get3A_243, %mul3A_245 : vector<16xf32>
        %add3A_247 = arith.addi %multiple_of3A_210, %add3A_239 : i32
        %swap3A = arith.index_cast %add3A_247 : i32 to index
        %swap3A_248 = arith.constant 0 : index
        %swap3A_249 = tpu.vector_load %arg6[%swap3A, %swap3A_248] {strides = array<i32>} : memref<1536x64xf32, #tpu.memory_space<vmem>>, vector<1x16xf32>,
        %swap3A_250 = vector.shape_cast %swap3A_249 : vector<1x16xf32> to vector<16xf32>
        %swap3A_251 = vector.shape_cast %mul3A_246 : vector<16xf32> to vector<1x16xf32>
        tpu.vector_store %arg6[%swap3A, %swap3A_248], %swap3A_251 {strides = array<i32>} : memref<1536x64xf32, #tpu.memory_space<vmem>>, vector<1x16xf32>,
        %add3A_252 = arith.addi %multiple_of3A_210, %add3A_239 : i32
        %get3A_253 = arith.index_cast %add3A_252 : i32 to index
        %get3A_254 = arith.constant 16 : index
        %get3A_255 = tpu.vector_load %arg6[%get3A_253, %get3A_254] {strides = array<i32>} : memref<1536x64xf32, #tpu.memory_space<vmem>>, vector<1x16xf32>,
        %get3A_256 = vector.shape_cast %get3A_255 : vector<1x16xf32> to vector<16xf32>
        %mul3A_257 = arith.constant 8.000000e+00 : f32
        %mul3A_258 = vector.broadcast %mul3A_257 : f32 to vector<16xf32>
        %mul3A_259 = arith.mulf %get3A_256, %mul3A_258 : vector<16xf32>
        %add3A_260 = arith.addi %multiple_of3A_210, %add3A_239 : i32
        %swap3A_261 = arith.index_cast %add3A_260 : i32 to index
        %swap3A_262 = arith.constant 16 : index
        %swap3A_263 = tpu.vector_load %arg6[%swap3A_261, %swap3A_262] {strides = array<i32>} : memref<1536x64xf32, #tpu.memory_space<vmem>>, vector<1x16xf32>,
        %swap3A_264 = vector.shape_cast %swap3A_263 : vector<1x16xf32> to vector<16xf32>
        %swap3A_265 = vector.shape_cast %mul3A_259 : vector<16xf32> to vector<1x16xf32>
        tpu.vector_store %arg6[%swap3A_261, %swap3A_262], %swap3A_265 {strides = array<i32>} : memref<1536x64xf32, #tpu.memory_space<vmem>>, vector<1x16xf32>,
        %add3A_266 = arith.addi %multiple_of3A_210, %add3A_239 : i32
        %get3A_267 = arith.index_cast %add3A_266 : i32 to index
        %get3A_268 = arith.constant 32 : index
        %get3A_269 = tpu.vector_load %arg6[%get3A_267, %get3A_268] {strides = array<i32>} : memref<1536x64xf32, #tpu.memory_space<vmem>>, vector<1x16xf32>,
        %get3A_270 = vector.shape_cast %get3A_269 : vector<1x16xf32> to vector<16xf32>
        %mul3A_271 = arith.constant 8.000000e+00 : f32
        %mul3A_272 = vector.broadcast %mul3A_271 : f32 to vector<16xf32>
        %mul3A_273 = arith.mulf %get3A_270, %mul3A_272 : vector<16xf32>
        %add3A_274 = arith.addi %multiple_of3A_210, %add3A_239 : i32
        %swap3A_275 = arith.index_cast %add3A_274 : i32 to index
        %swap3A_276 = arith.constant 32 : index
        %swap3A_277 = tpu.vector_load %arg6[%swap3A_275, %swap3A_276] {strides = array<i32>} : memref<1536x64xf32, #tpu.memory_space<vmem>>, vector<1x16xf32>,
        %swap3A_278 = vector.shape_cast %swap3A_277 : vector<1x16xf32> to vector<16xf32>
        %swap3A_279 = vector.shape_cast %mul3A_273 : vector<16xf32> to vector<1x16xf32>
        tpu.vector_store %arg6[%swap3A_275, %swap3A_276], %swap3A_279 {strides = array<i32>} : memref<1536x64xf32, #tpu.memory_space<vmem>>, vector<1x16xf32>,
        %add3A_280 = arith.addi %multiple_of3A_210, %add3A_239 : i32
        %get3A_281 = arith.index_cast %add3A_280 : i32 to index
        %get3A_282 = arith.constant 48 : index
        %get3A_283 = tpu.vector_load %arg6[%get3A_281, %get3A_282] {strides = array<i32>} : memref<1536x64xf32, #tpu.memory_space<vmem>>, vector<1x16xf32>,
        %get3A_284 = vector.shape_cast %get3A_283 : vector<1x16xf32> to vector<16xf32>
        %mul3A_285 = arith.constant 8.000000e+00 : f32
        %mul3A_286 = vector.broadcast %mul3A_285 : f32 to vector<16xf32>
        %mul3A_287 = arith.mulf %get3A_284, %mul3A_286 : vector<16xf32>
        %add3A_288 = arith.addi %multiple_of3A_210, %add3A_239 : i32
        %swap3A_289 = arith.index_cast %add3A_288 : i32 to index
        %swap3A_290 = arith.constant 48 : index
        %swap3A_291 = tpu.vector_load %arg6[%swap3A_289, %swap3A_290] {strides = array<i32>} : memref<1536x64xf32, #tpu.memory_space<vmem>>, vector<1x16xf32>,
        %swap3A_292 = vector.shape_cast %swap3A_291 : vector<1x16xf32> to vector<16xf32>
        %swap3A_293 = vector.shape_cast %mul3A_287 : vector<16xf32> to vector<1x16xf32>
        tpu.vector_store %arg6[%swap3A_289, %swap3A_290], %swap3A_293 {strides = array<i32>} : memref<1536x64xf32, #tpu.memory_space<vmem>>, vector<1x16xf32>,
        %scan3A_294 = arith.constant 1 : i32
        %scan3A_295 = arith.addi %scan3A_235, %scan3A_294 : i32
        %mul3A_296 = arith.constant 1 : i32
        %mul3A_297 = arith.muli %scan3A_295, %mul3A_296 : i32
        %add3A_298 = arith.constant 0 : i32
        %add3A_299 = arith.addi %add3A_298, %mul3A_297 : i32
        %add3A_300 = arith.addi %multiple_of3A_210, %add3A_299 : i32
        %get3A_301 = arith.index_cast %add3A_300 : i32 to index
        %get3A_302 = arith.constant 0 : index
        %get3A_303 = tpu.vector_load %arg6[%get3A_301, %get3A_302] {strides = array<i32>} : memref<1536x64xf32, #tpu.memory_space<vmem>>, vector<1x16xf32>,
        %get3A_304 = vector.shape_cast %get3A_303 : vector<1x16xf32> to vector<16xf32>
        %mul3A_305 = arith.constant 8.000000e+00 : f32
        %mul3A_306 = vector.broadcast %mul3A_305 : f32 to vector<16xf32>
        %mul3A_307 = arith.mulf %get3A_304, %mul3A_306 : vector<16xf32>
        %add3A_308 = arith.addi %multiple_of3A_210, %add3A_299 : i32
        %swap3A_309 = arith.index_cast %add3A_308 : i32 to index
        %swap3A_310 = arith.constant 0 : index
        %swap3A_311 = tpu.vector_load %arg6[%swap3A_309, %swap3A_310] {strides = array<i32>} : memref<1536x64xf32, #tpu.memory_space<vmem>>, vector<1x16xf32>,
        %swap3A_312 = vector.shape_cast %swap3A_311 : vector<1x16xf32> to vector<16xf32>
        %swap3A_313 = vector.shape_cast %mul3A_307 : vector<16xf32> to vector<1x16xf32>
        tpu.vector_store %arg6[%swap3A_309, %swap3A_310], %swap3A_313 {strides = array<i32>} : memref<1536x64xf32, #tpu.memory_space<vmem>>, vector<1x16xf32>,
        %add3A_314 = arith.addi %multiple_of3A_210, %add3A_299 : i32
        %get3A_315 = arith.index_cast %add3A_314 : i32 to index
        %get3A_316 = arith.constant 16 : index
        %get3A_317 = tpu.vector_load %arg6[%get3A_315, %get3A_316] {strides = array<i32>} : memref<1536x64xf32, #tpu.memory_space<vmem>>, vector<1x16xf32>,
        %get3A_318 = vector.shape_cast %get3A_317 : vector<1x16xf32> to vector<16xf32>
        %mul3A_319 = arith.constant 8.000000e+00 : f32
        %mul3A_320 = vector.broadcast %mul3A_319 : f32 to vector<16xf32>
        %mul3A_321 = arith.mulf %get3A_318, %mul3A_320 : vector<16xf32>
        %add3A_322 = arith.addi %multiple_of3A_210, %add3A_299 : i32
        %swap3A_323 = arith.index_cast %add3A_322 : i32 to index
        %swap3A_324 = arith.constant 16 : index
        %swap3A_325 = tpu.vector_load %arg6[%swap3A_323, %swap3A_324] {strides = array<i32>} : memref<1536x64xf32, #tpu.memory_space<vmem>>, vector<1x16xf32>,
        %swap3A_326 = vector.shape_cast %swap3A_325 : vector<1x16xf32> to vector<16xf32>
        %swap3A_327 = vector.shape_cast %mul3A_321 : vector<16xf32> to vector<1x16xf32>
        tpu.vector_store %arg6[%swap3A_323, %swap3A_324], %swap3A_327 {strides = array<i32>} : memref<1536x64xf32, #tpu.memory_space<vmem>>, vector<1x16xf32>,
        %add3A_328 = arith.addi %multiple_of3A_210, %add3A_299 : i32
        %get3A_329 = arith.index_cast %add3A_328 : i32 to index
        %get3A_330 = arith.constant 32 : index
        %get3A_331 = tpu.vector_load %arg6[%get3A_329, %get3A_330] {strides = array<i32>} : memref<1536x64xf32, #tpu.memory_space<vmem>>, vector<1x16xf32>,
        %get3A_332 = vector.shape_cast %get3A_331 : vector<1x16xf32> to vector<16xf32>
        %mul3A_333 = arith.constant 8.000000e+00 : f32
        %mul3A_334 = vector.broadcast %mul3A_333 : f32 to vector<16xf32>
        %mul3A_335 = arith.mulf %get3A_332, %mul3A_334 : vector<16xf32>
        %add3A_336 = arith.addi %multiple_of3A_210, %add3A_299 : i32
        %swap3A_337 = arith.index_cast %add3A_336 : i32 to index
        %swap3A_338 = arith.constant 32 : index
        %swap3A_339 = tpu.vector_load %arg6[%swap3A_337, %swap3A_338] {strides = array<i32>} : memref<1536x64xf32, #tpu.memory_space<vmem>>, vector<1x16xf32>,
        %swap3A_340 = vector.shape_cast %swap3A_339 : vector<1x16xf32> to vector<16xf32>
        %swap3A_341 = vector.shape_cast %mul3A_335 : vector<16xf32> to vector<1x16xf32>
        tpu.vector_store %arg6[%swap3A_337, %swap3A_338], %swap3A_341 {strides = array<i32>} : memref<1536x64xf32, #tpu.memory_space<vmem>>, vector<1x16xf32>,
        %add3A_342 = arith.addi %multiple_of3A_210, %add3A_299 : i32
        %get3A_343 = arith.index_cast %add3A_342 : i32 to index
        %get3A_344 = arith.constant 48 : index
        %get3A_345 = tpu.vector_load %arg6[%get3A_343, %get3A_344] {strides = array<i32>} : memref<1536x64xf32, #tpu.memory_space<vmem>>, vector<1x16xf32>,
        %get3A_346 = vector.shape_cast %get3A_345 : vector<1x16xf32> to vector<16xf32>
        %mul3A_347 = arith.constant 8.000000e+00 : f32
        %mul3A_348 = vector.broadcast %mul3A_347 : f32 to vector<16xf32>
        %mul3A_349 = arith.mulf %get3A_346, %mul3A_348 : vector<16xf32>
        %add3A_350 = arith.addi %multiple_of3A_210, %add3A_299 : i32
        %swap3A_351 = arith.index_cast %add3A_350 : i32 to index
        %swap3A_352 = arith.constant 48 : index
        %swap3A_353 = tpu.vector_load %arg6[%swap3A_351, %swap3A_352] {strides = array<i32>} : memref<1536x64xf32, #tpu.memory_space<vmem>>, vector<1x16xf32>,
        %swap3A_354 = vector.shape_cast %swap3A_353 : vector<1x16xf32> to vector<16xf32>
        %swap3A_355 = vector.shape_cast %mul3A_349 : vector<16xf32> to vector<1x16xf32>
        tpu.vector_store %arg6[%swap3A_351, %swap3A_352], %swap3A_355 {strides = array<i32>} : memref<1536x64xf32, #tpu.memory_space<vmem>>, vector<1x16xf32>,
        %scan3A_356 = arith.constant 2 : i32
        %scan3A_357 = arith.addi %scan3A_235, %scan3A_356 : i32
        %mul3A_358 = arith.constant 1 : i32
        %mul3A_359 = arith.muli %scan3A_357, %mul3A_358 : i32
        %add3A_360 = arith.constant 0 : i32
        %add3A_361 = arith.addi %add3A_360, %mul3A_359 : i32
        %add3A_362 = arith.addi %multiple_of3A_210, %add3A_361 : i32
        %get3A_363 = arith.index_cast %add3A_362 : i32 to index
        %get3A_364 = arith.constant 0 : index
        %get3A_365 = tpu.vector_load %arg6[%get3A_363, %get3A_364] {strides = array<i32>} : memref<1536x64xf32, #tpu.memory_space<vmem>>, vector<1x16xf32>,
        %get3A_366 = vector.shape_cast %get3A_365 : vector<1x16xf32> to vector<16xf32>
        %mul3A_367 = arith.constant 8.000000e+00 : f32
        %mul3A_368 = vector.broadcast %mul3A_367 : f32 to vector<16xf32>
        %mul3A_369 = arith.mulf %get3A_366, %mul3A_368 : vector<16xf32>
        %add3A_370 = arith.addi %multiple_of3A_210, %add3A_361 : i32
        %swap3A_371 = arith.index_cast %add3A_370 : i32 to index
        %swap3A_372 = arith.constant 0 : index
        %swap3A_373 = tpu.vector_load %arg6[%swap3A_371, %swap3A_372] {strides = array<i32>} : memref<1536x64xf32, #tpu.memory_space<vmem>>, vector<1x16xf32>,
        %swap3A_374 = vector.shape_cast %swap3A_373 : vector<1x16xf32> to vector<16xf32>
        %swap3A_375 = vector.shape_cast %mul3A_369 : vector<16xf32> to vector<1x16xf32>
        tpu.vector_store %arg6[%swap3A_371, %swap3A_372], %swap3A_375 {strides = array<i32>} : memref<1536x64xf32, #tpu.memory_space<vmem>>, vector<1x16xf32>,
        %add3A_376 = arith.addi %multiple_of3A_210, %add3A_361 : i32
        %get3A_377 = arith.index_cast %add3A_376 : i32 to index
        %get3A_378 = arith.constant 16 : index
        %get3A_379 = tpu.vector_load %arg6[%get3A_377, %get3A_378] {strides = array<i32>} : memref<1536x64xf32, #tpu.memory_space<vmem>>, vector<1x16xf32>,
        %get3A_380 = vector.shape_cast %get3A_379 : vector<1x16xf32> to vector<16xf32>
        %mul3A_381 = arith.constant 8.000000e+00 : f32
        %mul3A_382 = vector.broadcast %mul3A_381 : f32 to vector<16xf32>
        %mul3A_383 = arith.mulf %get3A_380, %mul3A_382 : vector<16xf32>
        %add3A_384 = arith.addi %multiple_of3A_210, %add3A_361 : i32
        %swap3A_385 = arith.index_cast %add3A_384 : i32 to index
        %swap3A_386 = arith.constant 16 : index
        %swap3A_387 = tpu.vector_load %arg6[%swap3A_385, %swap3A_386] {strides = array<i32>} : memref<1536x64xf32, #tpu.memory_space<vmem>>, vector<1x16xf32>,
        %swap3A_388 = vector.shape_cast %swap3A_387 : vector<1x16xf32> to vector<16xf32>
        %swap3A_389 = vector.shape_cast %mul3A_383 : vector<16xf32> to vector<1x16xf32>
        tpu.vector_store %arg6[%swap3A_385, %swap3A_386], %swap3A_389 {strides = array<i32>} : memref<1536x64xf32, #tpu.memory_space<vmem>>, vector<1x16xf32>,
        %add3A_390 = arith.addi %multiple_of3A_210, %add3A_361 : i32
        %get3A_391 = arith.index_cast %add3A_390 : i32 to index
        %get3A_392 = arith.constant 32 : index
        %get3A_393 = tpu.vector_load %arg6[%get3A_391, %get3A_392] {strides = array<i32>} : memref<1536x64xf32, #tpu.memory_space<vmem>>, vector<1x16xf32>,
        %get3A_394 = vector.shape_cast %get3A_393 : vector<1x16xf32> to vector<16xf32>
        %mul3A_395 = arith.constant 8.000000e+00 : f32
        %mul3A_396 = vector.broadcast %mul3A_395 : f32 to vector<16xf32>
        %mul3A_397 = arith.mulf %get3A_394, %mul3A_396 : vector<16xf32>
        %add3A_398 = arith.addi %multiple_of3A_210, %add3A_361 : i32
        %swap3A_399 = arith.index_cast %add3A_398 : i32 to index
        %swap3A_400 = arith.constant 32 : index
        %swap3A_401 = tpu.vector_load %arg6[%swap3A_399, %swap3A_400] {strides = array<i32>} : memref<1536x64xf32, #tpu.memory_space<vmem>>, vector<1x16xf32>,
        %swap3A_402 = vector.shape_cast %swap3A_401 : vector<1x16xf32> to vector<16xf32>
        %swap3A_403 = vector.shape_cast %mul3A_397 : vector<16xf32> to vector<1x16xf32>
        tpu.vector_store %arg6[%swap3A_399, %swap3A_400], %swap3A_403 {strides = array<i32>} : memref<1536x64xf32, #tpu.memory_space<vmem>>, vector<1x16xf32>,
        %add3A_404 = arith.addi %multiple_of3A_210, %add3A_361 : i32
        %get3A_405 = arith.index_cast %add3A_404 : i32 to index
        %get3A_406 = arith.constant 48 : index
        %get3A_407 = tpu.vector_load %arg6[%get3A_405, %get3A_406] {strides = array<i32>} : memref<1536x64xf32, #tpu.memory_space<vmem>>, vector<1x16xf32>,
        %get3A_408 = vector.shape_cast %get3A_407 : vector<1x16xf32> to vector<16xf32>
        %mul3A_409 = arith.constant 8.000000e+00 : f32
        %mul3A_410 = vector.broadcast %mul3A_409 : f32 to vector<16xf32>
        %mul3A_411 = arith.mulf %get3A_408, %mul3A_410 : vector<16xf32>
        %add3A_412 = arith.addi %multiple_of3A_210, %add3A_361 : i32
        %swap3A_413 = arith.index_cast %add3A_412 : i32 to index
        %swap3A_414 = arith.constant 48 : index
        %swap3A_415 = tpu.vector_load %arg6[%swap3A_413, %swap3A_414] {strides = array<i32>} : memref<1536x64xf32, #tpu.memory_space<vmem>>, vector<1x16xf32>,
        %swap3A_416 = vector.shape_cast %swap3A_415 : vector<1x16xf32> to vector<16xf32>
        %swap3A_417 = vector.shape_cast %mul3A_411 : vector<16xf32> to vector<1x16xf32>
        tpu.vector_store %arg6[%swap3A_413, %swap3A_414], %swap3A_417 {strides = array<i32>} : memref<1536x64xf32, #tpu.memory_space<vmem>>, vector<1x16xf32>,
        %scan3A_418 = arith.constant 3 : i32
        %scan3A_419 = arith.addi %scan3A_235, %scan3A_418 : i32
        %mul3A_420 = arith.constant 1 : i32
        %mul3A_421 = arith.muli %scan3A_419, %mul3A_420 : i32
        %add3A_422 = arith.constant 0 : i32
        %add3A_423 = arith.addi %add3A_422, %mul3A_421 : i32
        %add3A_424 = arith.addi %multiple_of3A_210, %add3A_423 : i32
        %get3A_425 = arith.index_cast %add3A_424 : i32 to index
        %get3A_426 = arith.constant 0 : index
        %get3A_427 = tpu.vector_load %arg6[%get3A_425, %get3A_426] {strides = array<i32>} : memref<1536x64xf32, #tpu.memory_space<vmem>>, vector<1x16xf32>,
        %get3A_428 = vector.shape_cast %get3A_427 : vector<1x16xf32> to vector<16xf32>
        %mul3A_429 = arith.constant 8.000000e+00 : f32
        %mul3A_430 = vector.broadcast %mul3A_429 : f32 to vector<16xf32>
        %mul3A_431 = arith.mulf %get3A_428, %mul3A_430 : vector<16xf32>
        %add3A_432 = arith.addi %multiple_of3A_210, %add3A_423 : i32
        %swap3A_433 = arith.index_cast %add3A_432 : i32 to index
        %swap3A_434 = arith.constant 0 : index
        %swap3A_435 = tpu.vector_load %arg6[%swap3A_433, %swap3A_434] {strides = array<i32>} : memref<1536x64xf32, #tpu.memory_space<vmem>>, vector<1x16xf32>,
        %swap3A_436 = vector.shape_cast %swap3A_435 : vector<1x16xf32> to vector<16xf32>
        %swap3A_437 = vector.shape_cast %mul3A_431 : vector<16xf32> to vector<1x16xf32>
        tpu.vector_store %arg6[%swap3A_433, %swap3A_434], %swap3A_437 {strides = array<i32>} : memref<1536x64xf32, #tpu.memory_space<vmem>>, vector<1x16xf32>,
        %add3A_438 = arith.addi %multiple_of3A_210, %add3A_423 : i32
        %get3A_439 = arith.index_cast %add3A_438 : i32 to index
        %get3A_440 = arith.constant 16 : index
        %get3A_441 = tpu.vector_load %arg6[%get3A_439, %get3A_440] {strides = array<i32>} : memref<1536x64xf32, #tpu.memory_space<vmem>>, vector<1x16xf32>,
        %get3A_442 = vector.shape_cast %get3A_441 : vector<1x16xf32> to vector<16xf32>
        %mul3A_443 = arith.constant 8.000000e+00 : f32
        %mul3A_444 = vector.broadcast %mul3A_443 : f32 to vector<16xf32>
        %mul3A_445 = arith.mulf %get3A_442, %mul3A_444 : vector<16xf32>
        %add3A_446 = arith.addi %multiple_of3A_210, %add3A_423 : i32
        %swap3A_447 = arith.index_cast %add3A_446 : i32 to index
        %swap3A_448 = arith.constant 16 : index
        %swap3A_449 = tpu.vector_load %arg6[%swap3A_447, %swap3A_448] {strides = array<i32>} : memref<1536x64xf32, #tpu.memory_space<vmem>>, vector<1x16xf32>,
        %swap3A_450 = vector.shape_cast %swap3A_449 : vector<1x16xf32> to vector<16xf32>
        %swap3A_451 = vector.shape_cast %mul3A_445 : vector<16xf32> to vector<1x16xf32>
        tpu.vector_store %arg6[%swap3A_447, %swap3A_448], %swap3A_451 {strides = array<i32>} : memref<1536x64xf32, #tpu.memory_space<vmem>>, vector<1x16xf32>,
        %add3A_452 = arith.addi %multiple_of3A_210, %add3A_423 : i32
        %get3A_453 = arith.index_cast %add3A_452 : i32 to index
        %get3A_454 = arith.constant 32 : index
        %get3A_455 = tpu.vector_load %arg6[%get3A_453, %get3A_454] {strides = array<i32>} : memref<1536x64xf32, #tpu.memory_space<vmem>>, vector<1x16xf32>,
        %get3A_456 = vector.shape_cast %get3A_455 : vector<1x16xf32> to vector<16xf32>
        %mul3A_457 = arith.constant 8.000000e+00 : f32
        %mul3A_458 = vector.broadcast %mul3A_457 : f32 to vector<16xf32>
        %mul3A_459 = arith.mulf %get3A_456, %mul3A_458 : vector<16xf32>
        %add3A_460 = arith.addi %multiple_of3A_210, %add3A_423 : i32
        %swap3A_461 = arith.index_cast %add3A_460 : i32 to index
        %swap3A_462 = arith.constant 32 : index
        %swap3A_463 = tpu.vector_load %arg6[%swap3A_461, %swap3A_462] {strides = array<i32>} : memref<1536x64xf32, #tpu.memory_space<vmem>>, vector<1x16xf32>,
        %swap3A_464 = vector.shape_cast %swap3A_463 : vector<1x16xf32> to vector<16xf32>
        %swap3A_465 = vector.shape_cast %mul3A_459 : vector<16xf32> to vector<1x16xf32>
        tpu.vector_store %arg6[%swap3A_461, %swap3A_462], %swap3A_465 {strides = array<i32>} : memref<1536x64xf32, #tpu.memory_space<vmem>>, vector<1x16xf32>,
        %add3A_466 = arith.addi %multiple_of3A_210, %add3A_423 : i32
        %get3A_467 = arith.index_cast %add3A_466 : i32 to index
        %get3A_468 = arith.constant 48 : index
        %get3A_469 = tpu.vector_load %arg6[%get3A_467, %get3A_468] {strides = array<i32>} : memref<1536x64xf32, #tpu.memory_space<vmem>>, vector<1x16xf32>,
        %get3A_470 = vector.shape_cast %get3A_469 : vector<1x16xf32> to vector<16xf32>
        %mul3A_471 = arith.constant 8.000000e+00 : f32
        %mul3A_472 = vector.broadcast %mul3A_471 : f32 to vector<16xf32>
        %mul3A_473 = arith.mulf %get3A_470, %mul3A_472 : vector<16xf32>
        %add3A_474 = arith.addi %multiple_of3A_210, %add3A_423 : i32
        %swap3A_475 = arith.index_cast %add3A_474 : i32 to index
        %swap3A_476 = arith.constant 48 : index
        %swap3A_477 = tpu.vector_load %arg6[%swap3A_475, %swap3A_476] {strides = array<i32>} : memref<1536x64xf32, #tpu.memory_space<vmem>>, vector<1x16xf32>,
        %swap3A_478 = vector.shape_cast %swap3A_477 : vector<1x16xf32> to vector<16xf32>
        %swap3A_479 = vector.shape_cast %mul3A_473 : vector<16xf32> to vector<1x16xf32>
        tpu.vector_store %arg6[%swap3A_475, %swap3A_476], %swap3A_479 {strides = array<i32>} : memref<1536x64xf32, #tpu.memory_space<vmem>>, vector<1x16xf32>,
        %scan3A_480 = arith.constant 4 : i32
        %scan3A_481 = arith.addi %scan3A_235, %scan3A_480 : i32
        %mul3A_482 = arith.constant 1 : i32
        %mul3A_483 = arith.muli %scan3A_481, %mul3A_482 : i32
        %add3A_484 = arith.constant 0 : i32
        %add3A_485 = arith.addi %add3A_484, %mul3A_483 : i32
        %add3A_486 = arith.addi %multiple_of3A_210, %add3A_485 : i32
        %get3A_487 = arith.index_cast %add3A_486 : i32 to index
        %get3A_488 = arith.constant 0 : index
        %get3A_489 = tpu.vector_load %arg6[%get3A_487, %get3A_488] {strides = array<i32>} : memref<1536x64xf32, #tpu.memory_space<vmem>>, vector<1x16xf32>,
        %get3A_490 = vector.shape_cast %get3A_489 : vector<1x16xf32> to vector<16xf32>
        %mul3A_491 = arith.constant 8.000000e+00 : f32
        %mul3A_492 = vector.broadcast %mul3A_491 : f32 to vector<16xf32>
        %mul3A_493 = arith.mulf %get3A_490, %mul3A_492 : vector<16xf32>
        %add3A_494 = arith.addi %multiple_of3A_210, %add3A_485 : i32
        %swap3A_495 = arith.index_cast %add3A_494 : i32 to index
        %swap3A_496 = arith.constant 0 : index
        %swap3A_497 = tpu.vector_load %arg6[%swap3A_495, %swap3A_496] {strides = array<i32>} : memref<1536x64xf32, #tpu.memory_space<vmem>>, vector<1x16xf32>,
        %swap3A_498 = vector.shape_cast %swap3A_497 : vector<1x16xf32> to vector<16xf32>
        %swap3A_499 = vector.shape_cast %mul3A_493 : vector<16xf32> to vector<1x16xf32>
        tpu.vector_store %arg6[%swap3A_495, %swap3A_496], %swap3A_499 {strides = array<i32>} : memref<1536x64xf32, #tpu.memory_space<vmem>>, vector<1x16xf32>,
        %add3A_500 = arith.addi %multiple_of3A_210, %add3A_485 : i32
        %get3A_501 = arith.index_cast %add3A_500 : i32 to index
        %get3A_502 = arith.constant 16 : index
        %get3A_503 = tpu.vector_load %arg6[%get3A_501, %get3A_502] {strides = array<i32>} : memref<1536x64xf32, #tpu.memory_space<vmem>>, vector<1x16xf32>,
        %get3A_504 = vector.shape_cast %get3A_503 : vector<1x16xf32> to vector<16xf32>
        %mul3A_505 = arith.constant 8.000000e+00 : f32
        %mul3A_506 = vector.broadcast %mul3A_505 : f32 to vector<16xf32>
        %mul3A_507 = arith.mulf %get3A_504, %mul3A_506 : vector<16xf32>
        %add3A_508 = arith.addi %multiple_of3A_210, %add3A_485 : i32
        %swap3A_509 = arith.index_cast %add3A_508 : i32 to index
        %swap3A_510 = arith.constant 16 : index
        %swap3A_511 = tpu.vector_load %arg6[%swap3A_509, %swap3A_510] {strides = array<i32>} : memref<1536x64xf32, #tpu.memory_space<vmem>>, vector<1x16xf32>,
        %swap3A_512 = vector.shape_cast %swap3A_511 : vector<1x16xf32> to vector<16xf32>
        %swap3A_513 = vector.shape_cast %mul3A_507 : vector<16xf32> to vector<1x16xf32>
        tpu.vector_store %arg6[%swap3A_509, %swap3A_510], %swap3A_513 {strides = array<i32>} : memref<1536x64xf32, #tpu.memory_space<vmem>>, vector<1x16xf32>,
        %add3A_514 = arith.addi %multiple_of3A_210, %add3A_485 : i32
        %get3A_515 = arith.index_cast %add3A_514 : i32 to index
        %get3A_516 = arith.constant 32 : index
        %get3A_517 = tpu.vector_load %arg6[%get3A_515, %get3A_516] {strides = array<i32>} : memref<1536x64xf32, #tpu.memory_space<vmem>>, vector<1x16xf32>,
        %get3A_518 = vector.shape_cast %get3A_517 : vector<1x16xf32> to vector<16xf32>
        %mul3A_519 = arith.constant 8.000000e+00 : f32
        %mul3A_520 = vector.broadcast %mul3A_519 : f32 to vector<16xf32>
        %mul3A_521 = arith.mulf %get3A_518, %mul3A_520 : vector<16xf32>
        %add3A_522 = arith.addi %multiple_of3A_210, %add3A_485 : i32
        %swap3A_523 = arith.index_cast %add3A_522 : i32 to index
        %swap3A_524 = arith.constant 32 : index
        %swap3A_525 = tpu.vector_load %arg6[%swap3A_523, %swap3A_524] {strides = array<i32>} : memref<1536x64xf32, #tpu.memory_space<vmem>>, vector<1x16xf32>,
        %swap3A_526 = vector.shape_cast %swap3A_525 : vector<1x16xf32> to vector<16xf32>
        %swap3A_527 = vector.shape_cast %mul3A_521 : vector<16xf32> to vector<1x16xf32>
        tpu.vector_store %arg6[%swap3A_523, %swap3A_524], %swap3A_527 {strides = array<i32>} : memref<1536x64xf32, #tpu.memory_space<vmem>>, vector<1x16xf32>,
        %add3A_528 = arith.addi %multiple_of3A_210, %add3A_485 : i32
        %get3A_529 = arith.index_cast %add3A_528 : i32 to index
        %get3A_530 = arith.constant 48 : index
        %get3A_531 = tpu.vector_load %arg6[%get3A_529, %get3A_530] {strides = array<i32>} : memref<1536x64xf32, #tpu.memory_space<vmem>>, vector<1x16xf32>,
        %get3A_532 = vector.shape_cast %get3A_531 : vector<1x16xf32> to vector<16xf32>
        %mul3A_533 = arith.constant 8.000000e+00 : f32
        %mul3A_534 = vector.broadcast %mul3A_533 : f32 to vector<16xf32>
        %mul3A_535 = arith.mulf %get3A_532, %mul3A_534 : vector<16xf32>
        %add3A_536 = arith.addi %multiple_of3A_210, %add3A_485 : i32
        %swap3A_537 = arith.index_cast %add3A_536 : i32 to index
        %swap3A_538 = arith.constant 48 : index
        %swap3A_539 = tpu.vector_load %arg6[%swap3A_537, %swap3A_538] {strides = array<i32>} : memref<1536x64xf32, #tpu.memory_space<vmem>>, vector<1x16xf32>,
        %swap3A_540 = vector.shape_cast %swap3A_539 : vector<1x16xf32> to vector<16xf32>
        %swap3A_541 = vector.shape_cast %mul3A_535 : vector<16xf32> to vector<1x16xf32>
        tpu.vector_store %arg6[%swap3A_537, %swap3A_538], %swap3A_541 {strides = array<i32>} : memref<1536x64xf32, #tpu.memory_space<vmem>>, vector<1x16xf32>,
        %scan3A_542 = arith.constant 5 : i32
        %scan3A_543 = arith.addi %scan3A_235, %scan3A_542 : i32
        %mul3A_544 = arith.constant 1 : i32
        %mul3A_545 = arith.muli %scan3A_543, %mul3A_544 : i32
        %add3A_546 = arith.constant 0 : i32
        %add3A_547 = arith.addi %add3A_546, %mul3A_545 : i32
        %add3A_548 = arith.addi %multiple_of3A_210, %add3A_547 : i32
        %get3A_549 = arith.index_cast %add3A_548 : i32 to index
        %get3A_550 = arith.constant 0 : index
        %get3A_551 = tpu.vector_load %arg6[%get3A_549, %get3A_550] {strides = array<i32>} : memref<1536x64xf32, #tpu.memory_space<vmem>>, vector<1x16xf32>,
        %get3A_552 = vector.shape_cast %get3A_551 : vector<1x16xf32> to vector<16xf32>
        %mul3A_553 = arith.constant 8.000000e+00 : f32
        %mul3A_554 = vector.broadcast %mul3A_553 : f32 to vector<16xf32>
        %mul3A_555 = arith.mulf %get3A_552, %mul3A_554 : vector<16xf32>
        %add3A_556 = arith.addi %multiple_of3A_210, %add3A_547 : i32
        %swap3A_557 = arith.index_cast %add3A_556 : i32 to index
        %swap3A_558 = arith.constant 0 : index
        %swap3A_559 = tpu.vector_load %arg6[%swap3A_557, %swap3A_558] {strides = array<i32>} : memref<1536x64xf32, #tpu.memory_space<vmem>>, vector<1x16xf32>,
        %swap3A_560 = vector.shape_cast %swap3A_559 : vector<1x16xf32> to vector<16xf32>
        %swap3A_561 = vector.shape_cast %mul3A_555 : vector<16xf32> to vector<1x16xf32>
        tpu.vector_store %arg6[%swap3A_557, %swap3A_558], %swap3A_561 {strides = array<i32>} : memref<1536x64xf32, #tpu.memory_space<vmem>>, vector<1x16xf32>,
        %add3A_562 = arith.addi %multiple_of3A_210, %add3A_547 : i32
        %get3A_563 = arith.index_cast %add3A_562 : i32 to index
        %get3A_564 = arith.constant 16 : index
        %get3A_565 = tpu.vector_load %arg6[%get3A_563, %get3A_564] {strides = array<i32>} : memref<1536x64xf32, #tpu.memory_space<vmem>>, vector<1x16xf32>,
        %get3A_566 = vector.shape_cast %get3A_565 : vector<1x16xf32> to vector<16xf32>
        %mul3A_567 = arith.constant 8.000000e+00 : f32
        %mul3A_568 = vector.broadcast %mul3A_567 : f32 to vector<16xf32>
        %mul3A_569 = arith.mulf %get3A_566, %mul3A_568 : vector<16xf32>
        %add3A_570 = arith.addi %multiple_of3A_210, %add3A_547 : i32
        %swap3A_571 = arith.index_cast %add3A_570 : i32 to index
        %swap3A_572 = arith.constant 16 : index
        %swap3A_573 = tpu.vector_load %arg6[%swap3A_571, %swap3A_572] {strides = array<i32>} : memref<1536x64xf32, #tpu.memory_space<vmem>>, vector<1x16xf32>,
        %swap3A_574 = vector.shape_cast %swap3A_573 : vector<1x16xf32> to vector<16xf32>
        %swap3A_575 = vector.shape_cast %mul3A_569 : vector<16xf32> to vector<1x16xf32>
        tpu.vector_store %arg6[%swap3A_571, %swap3A_572], %swap3A_575 {strides = array<i32>} : memref<1536x64xf32, #tpu.memory_space<vmem>>, vector<1x16xf32>,
        %add3A_576 = arith.addi %multiple_of3A_210, %add3A_547 : i32
        %get3A_577 = arith.index_cast %add3A_576 : i32 to index
        %get3A_578 = arith.constant 32 : index
        %get3A_579 = tpu.vector_load %arg6[%get3A_577, %get3A_578] {strides = array<i32>} : memref<1536x64xf32, #tpu.memory_space<vmem>>, vector<1x16xf32>,
        %get3A_580 = vector.shape_cast %get3A_579 : vector<1x16xf32> to vector<16xf32>
        %mul3A_581 = arith.constant 8.000000e+00 : f32
        %mul3A_582 = vector.broadcast %mul3A_581 : f32 to vector<16xf32>
        %mul3A_583 = arith.mulf %get3A_580, %mul3A_582 : vector<16xf32>
        %add3A_584 = arith.addi %multiple_of3A_210, %add3A_547 : i32
        %swap3A_585 = arith.index_cast %add3A_584 : i32 to index
        %swap3A_586 = arith.constant 32 : index
        %swap3A_587 = tpu.vector_load %arg6[%swap3A_585, %swap3A_586] {strides = array<i32>} : memref<1536x64xf32, #tpu.memory_space<vmem>>, vector<1x16xf32>,
        %swap3A_588 = vector.shape_cast %swap3A_587 : vector<1x16xf32> to vector<16xf32>
        %swap3A_589 = vector.shape_cast %mul3A_583 : vector<16xf32> to vector<1x16xf32>
        tpu.vector_store %arg6[%swap3A_585, %swap3A_586], %swap3A_589 {strides = array<i32>} : memref<1536x64xf32, #tpu.memory_space<vmem>>, vector<1x16xf32>,
        %add3A_590 = arith.addi %multiple_of3A_210, %add3A_547 : i32
        %get3A_591 = arith.index_cast %add3A_590 : i32 to index
        %get3A_592 = arith.constant 48 : index
        %get3A_593 = tpu.vector_load %arg6[%get3A_591, %get3A_592] {strides = array<i32>} : memref<1536x64xf32, #tpu.memory_space<vmem>>, vector<1x16xf32>,
        %get3A_594 = vector.shape_cast %get3A_593 : vector<1x16xf32> to vector<16xf32>
        %mul3A_595 = arith.constant 8.000000e+00 : f32
        %mul3A_596 = vector.broadcast %mul3A_595 : f32 to vector<16xf32>
        %mul3A_597 = arith.mulf %get3A_594, %mul3A_596 : vector<16xf32>
        %add3A_598 = arith.addi %multiple_of3A_210, %add3A_547 : i32
        %swap3A_599 = arith.index_cast %add3A_598 : i32 to index
        %swap3A_600 = arith.constant 48 : index
        %swap3A_601 = tpu.vector_load %arg6[%swap3A_599, %swap3A_600] {strides = array<i32>} : memref<1536x64xf32, #tpu.memory_space<vmem>>, vector<1x16xf32>,
        %swap3A_602 = vector.shape_cast %swap3A_601 : vector<1x16xf32> to vector<16xf32>
        %swap3A_603 = vector.shape_cast %mul3A_597 : vector<16xf32> to vector<1x16xf32>
        tpu.vector_store %arg6[%swap3A_599, %swap3A_600], %swap3A_603 {strides = array<i32>} : memref<1536x64xf32, #tpu.memory_space<vmem>>, vector<1x16xf32>,
        %scan3A_604 = arith.constant 6 : i32
        %scan3A_605 = arith.addi %scan3A_235, %scan3A_604 : i32
        %mul3A_606 = arith.constant 1 : i32
        %mul3A_607 = arith.muli %scan3A_605, %mul3A_606 : i32
        %add3A_608 = arith.constant 0 : i32
        %add3A_609 = arith.addi %add3A_608, %mul3A_607 : i32
        %add3A_610 = arith.addi %multiple_of3A_210, %add3A_609 : i32
        %get3A_611 = arith.index_cast %add3A_610 : i32 to index
        %get3A_612 = arith.constant 0 : index
        %get3A_613 = tpu.vector_load %arg6[%get3A_611, %get3A_612] {strides = array<i32>} : memref<1536x64xf32, #tpu.memory_space<vmem>>, vector<1x16xf32>,
        %get3A_614 = vector.shape_cast %get3A_613 : vector<1x16xf32> to vector<16xf32>
        %mul3A_615 = arith.constant 8.000000e+00 : f32
        %mul3A_616 = vector.broadcast %mul3A_615 : f32 to vector<16xf32>
        %mul3A_617 = arith.mulf %get3A_614, %mul3A_616 : vector<16xf32>
        %add3A_618 = arith.addi %multiple_of3A_210, %add3A_609 : i32
        %swap3A_619 = arith.index_cast %add3A_618 : i32 to index
        %swap3A_620 = arith.constant 0 : index
        %swap3A_621 = tpu.vector_load %arg6[%swap3A_619, %swap3A_620] {strides = array<i32>} : memref<1536x64xf32, #tpu.memory_space<vmem>>, vector<1x16xf32>,
        %swap3A_622 = vector.shape_cast %swap3A_621 : vector<1x16xf32> to vector<16xf32>
        %swap3A_623 = vector.shape_cast %mul3A_617 : vector<16xf32> to vector<1x16xf32>
        tpu.vector_store %arg6[%swap3A_619, %swap3A_620], %swap3A_623 {strides = array<i32>} : memref<1536x64xf32, #tpu.memory_space<vmem>>, vector<1x16xf32>,
        %add3A_624 = arith.addi %multiple_of3A_210, %add3A_609 : i32
        %get3A_625 = arith.index_cast %add3A_624 : i32 to index
        %get3A_626 = arith.constant 16 : index
        %get3A_627 = tpu.vector_load %arg6[%get3A_625, %get3A_626] {strides = array<i32>} : memref<1536x64xf32, #tpu.memory_space<vmem>>, vector<1x16xf32>,
        %get3A_628 = vector.shape_cast %get3A_627 : vector<1x16xf32> to vector<16xf32>
        %mul3A_629 = arith.constant 8.000000e+00 : f32
        %mul3A_630 = vector.broadcast %mul3A_629 : f32 to vector<16xf32>
        %mul3A_631 = arith.mulf %get3A_628, %mul3A_630 : vector<16xf32>
        %add3A_632 = arith.addi %multiple_of3A_210, %add3A_609 : i32
        %swap3A_633 = arith.index_cast %add3A_632 : i32 to index
        %swap3A_634 = arith.constant 16 : index
        %swap3A_635 = tpu.vector_load %arg6[%swap3A_633, %swap3A_634] {strides = array<i32>} : memref<1536x64xf32, #tpu.memory_space<vmem>>, vector<1x16xf32>,
        %swap3A_636 = vector.shape_cast %swap3A_635 : vector<1x16xf32> to vector<16xf32>
        %swap3A_637 = vector.shape_cast %mul3A_631 : vector<16xf32> to vector<1x16xf32>
        tpu.vector_store %arg6[%swap3A_633, %swap3A_634], %swap3A_637 {strides = array<i32>} : memref<1536x64xf32, #tpu.memory_space<vmem>>, vector<1x16xf32>,
        %add3A_638 = arith.addi %multiple_of3A_210, %add3A_609 : i32
        %get3A_639 = arith.index_cast %add3A_638 : i32 to index
        %get3A_640 = arith.constant 32 : index
        %get3A_641 = tpu.vector_load %arg6[%get3A_639, %get3A_640] {strides = array<i32>} : memref<1536x64xf32, #tpu.memory_space<vmem>>, vector<1x16xf32>,
        %get3A_642 = vector.shape_cast %get3A_641 : vector<1x16xf32> to vector<16xf32>
        %mul3A_643 = arith.constant 8.000000e+00 : f32
        %mul3A_644 = vector.broadcast %mul3A_643 : f32 to vector<16xf32>
        %mul3A_645 = arith.mulf %get3A_642, %mul3A_644 : vector<16xf32>
        %add3A_646 = arith.addi %multiple_of3A_210, %add3A_609 : i32
        %swap3A_647 = arith.index_cast %add3A_646 : i32 to index
        %swap3A_648 = arith.constant 32 : index
        %swap3A_649 = tpu.vector_load %arg6[%swap3A_647, %swap3A_648] {strides = array<i32>} : memref<1536x64xf32, #tpu.memory_space<vmem>>, vector<1x16xf32>,
        %swap3A_650 = vector.shape_cast %swap3A_649 : vector<1x16xf32> to vector<16xf32>
        %swap3A_651 = vector.shape_cast %mul3A_645 : vector<16xf32> to vector<1x16xf32>
        tpu.vector_store %arg6[%swap3A_647, %swap3A_648], %swap3A_651 {strides = array<i32>} : memref<1536x64xf32, #tpu.memory_space<vmem>>, vector<1x16xf32>,
        %add3A_652 = arith.addi %multiple_of3A_210, %add3A_609 : i32
        %get3A_653 = arith.index_cast %add3A_652 : i32 to index
        %get3A_654 = arith.constant 48 : index
        %get3A_655 = tpu.vector_load %arg6[%get3A_653, %get3A_654] {strides = array<i32>} : memref<1536x64xf32, #tpu.memory_space<vmem>>, vector<1x16xf32>,
        %get3A_656 = vector.shape_cast %get3A_655 : vector<1x16xf32> to vector<16xf32>
        %mul3A_657 = arith.constant 8.000000e+00 : f32
        %mul3A_658 = vector.broadcast %mul3A_657 : f32 to vector<16xf32>
        %mul3A_659 = arith.mulf %get3A_656, %mul3A_658 : vector<16xf32>
        %add3A_660 = arith.addi %multiple_of3A_210, %add3A_609 : i32
        %swap3A_661 = arith.index_cast %add3A_660 : i32 to index
        %swap3A_662 = arith.constant 48 : index
        %swap3A_663 = tpu.vector_load %arg6[%swap3A_661, %swap3A_662] {strides = array<i32>} : memref<1536x64xf32, #tpu.memory_space<vmem>>, vector<1x16xf32>,
        %swap3A_664 = vector.shape_cast %swap3A_663 : vector<1x16xf32> to vector<16xf32>
        %swap3A_665 = vector.shape_cast %mul3A_659 : vector<16xf32> to vector<1x16xf32>
        tpu.vector_store %arg6[%swap3A_661, %swap3A_662], %swap3A_665 {strides = array<i32>} : memref<1536x64xf32, #tpu.memory_space<vmem>>, vector<1x16xf32>,
        %scan3A_666 = arith.constant 7 : i32
        %scan3A_667 = arith.addi %scan3A_235, %scan3A_666 : i32
        %mul3A_668 = arith.constant 1 : i32
        %mul3A_669 = arith.muli %scan3A_667, %mul3A_668 : i32
        %add3A_670 = arith.constant 0 : i32
        %add3A_671 = arith.addi %add3A_670, %mul3A_669 : i32
        %add3A_672 = arith.addi %multiple_of3A_210, %add3A_671 : i32
        %get3A_673 = arith.index_cast %add3A_672 : i32 to index
        %get3A_674 = arith.constant 0 : index
        %get3A_675 = tpu.vector_load %arg6[%get3A_673, %get3A_674] {strides = array<i32>} : memref<1536x64xf32, #tpu.memory_space<vmem>>, vector<1x16xf32>,
        %get3A_676 = vector.shape_cast %get3A_675 : vector<1x16xf32> to vector<16xf32>
        %mul3A_677 = arith.constant 8.000000e+00 : f32
        %mul3A_678 = vector.broadcast %mul3A_677 : f32 to vector<16xf32>
        %mul3A_679 = arith.mulf %get3A_676, %mul3A_678 : vector<16xf32>
        %add3A_680 = arith.addi %multiple_of3A_210, %add3A_671 : i32
        %swap3A_681 = arith.index_cast %add3A_680 : i32 to index
        %swap3A_682 = arith.constant 0 : index
        %swap3A_683 = tpu.vector_load %arg6[%swap3A_681, %swap3A_682] {strides = array<i32>} : memref<1536x64xf32, #tpu.memory_space<vmem>>, vector<1x16xf32>,
        %swap3A_684 = vector.shape_cast %swap3A_683 : vector<1x16xf32> to vector<16xf32>
        %swap3A_685 = vector.shape_cast %mul3A_679 : vector<16xf32> to vector<1x16xf32>
        tpu.vector_store %arg6[%swap3A_681, %swap3A_682], %swap3A_685 {strides = array<i32>} : memref<1536x64xf32, #tpu.memory_space<vmem>>, vector<1x16xf32>,
        %add3A_686 = arith.addi %multiple_of3A_210, %add3A_671 : i32
        %get3A_687 = arith.index_cast %add3A_686 : i32 to index
        %get3A_688 = arith.constant 16 : index
        %get3A_689 = tpu.vector_load %arg6[%get3A_687, %get3A_688] {strides = array<i32>} : memref<1536x64xf32, #tpu.memory_space<vmem>>, vector<1x16xf32>,
        %get3A_690 = vector.shape_cast %get3A_689 : vector<1x16xf32> to vector<16xf32>
        %mul3A_691 = arith.constant 8.000000e+00 : f32
        %mul3A_692 = vector.broadcast %mul3A_691 : f32 to vector<16xf32>
        %mul3A_693 = arith.mulf %get3A_690, %mul3A_692 : vector<16xf32>
        %add3A_694 = arith.addi %multiple_of3A_210, %add3A_671 : i32
        %swap3A_695 = arith.index_cast %add3A_694 : i32 to index
        %swap3A_696 = arith.constant 16 : index
        %swap3A_697 = tpu.vector_load %arg6[%swap3A_695, %swap3A_696] {strides = array<i32>} : memref<1536x64xf32, #tpu.memory_space<vmem>>, vector<1x16xf32>,
        %swap3A_698 = vector.shape_cast %swap3A_697 : vector<1x16xf32> to vector<16xf32>
        %swap3A_699 = vector.shape_cast %mul3A_693 : vector<16xf32> to vector<1x16xf32>
        tpu.vector_store %arg6[%swap3A_695, %swap3A_696], %swap3A_699 {strides = array<i32>} : memref<1536x64xf32, #tpu.memory_space<vmem>>, vector<1x16xf32>,
        %add3A_700 = arith.addi %multiple_of3A_210, %add3A_671 : i32
        %get3A_701 = arith.index_cast %add3A_700 : i32 to index
        %get3A_702 = arith.constant 32 : index
        %get3A_703 = tpu.vector_load %arg6[%get3A_701, %get3A_702] {strides = array<i32>} : memref<1536x64xf32, #tpu.memory_space<vmem>>, vector<1x16xf32>,
        %get3A_704 = vector.shape_cast %get3A_703 : vector<1x16xf32> to vector<16xf32>
        %mul3A_705 = arith.constant 8.000000e+00 : f32
        %mul3A_706 = vector.broadcast %mul3A_705 : f32 to vector<16xf32>
        %mul3A_707 = arith.mulf %get3A_704, %mul3A_706 : vector<16xf32>
        %add3A_708 = arith.addi %multiple_of3A_210, %add3A_671 : i32
        %swap3A_709 = arith.index_cast %add3A_708 : i32 to index
        %swap3A_710 = arith.constant 32 : index
        %swap3A_711 = tpu.vector_load %arg6[%swap3A_709, %swap3A_710] {strides = array<i32>} : memref<1536x64xf32, #tpu.memory_space<vmem>>, vector<1x16xf32>,
        %swap3A_712 = vector.shape_cast %swap3A_711 : vector<1x16xf32> to vector<16xf32>
        %swap3A_713 = vector.shape_cast %mul3A_707 : vector<16xf32> to vector<1x16xf32>
        tpu.vector_store %arg6[%swap3A_709, %swap3A_710], %swap3A_713 {strides = array<i32>} : memref<1536x64xf32, #tpu.memory_space<vmem>>, vector<1x16xf32>,
        %add3A_714 = arith.addi %multiple_of3A_210, %add3A_671 : i32
        %get3A_715 = arith.index_cast %add3A_714 : i32 to index
        %get3A_716 = arith.constant 48 : index
        %get3A_717 = tpu.vector_load %arg6[%get3A_715, %get3A_716] {strides = array<i32>} : memref<1536x64xf32, #tpu.memory_space<vmem>>, vector<1x16xf32>,
        %get3A_718 = vector.shape_cast %get3A_717 : vector<1x16xf32> to vector<16xf32>
        %mul3A_719 = arith.constant 8.000000e+00 : f32
        %mul3A_720 = vector.broadcast %mul3A_719 : f32 to vector<16xf32>
        %mul3A_721 = arith.mulf %get3A_718, %mul3A_720 : vector<16xf32>
        %add3A_722 = arith.addi %multiple_of3A_210, %add3A_671 : i32
        %swap3A_723 = arith.index_cast %add3A_722 : i32 to index
        %swap3A_724 = arith.constant 48 : index
        %swap3A_725 = tpu.vector_load %arg6[%swap3A_723, %swap3A_724] {strides = array<i32>} : memref<1536x64xf32, #tpu.memory_space<vmem>>, vector<1x16xf32>,
        %swap3A_726 = vector.shape_cast %swap3A_725 : vector<1x16xf32> to vector<16xf32>
        %swap3A_727 = vector.shape_cast %mul3A_721 : vector<16xf32> to vector<1x16xf32>
        tpu.vector_store %arg6[%swap3A_723, %swap3A_724], %swap3A_727 {strides = array<i32>} : memref<1536x64xf32, #tpu.memory_space<vmem>>, vector<1x16xf32>,
      }
      %scan3A_215 = arith.constant 512 : i32
      %rem3A_216 = arith.constant 3 : i32
      %rem3A_217 = arith.remsi %add3A_184, %rem3A_216 : i32
      %mul3A_218 = arith.constant 512 : i32
      %mul3A_219 = arith.muli %rem3A_217, %mul3A_218 : i32
      %multiple_of3A_220 = tpu.assume_multiple %mul3A_219, 512 : i32
      %mul3A_221 = arith.constant 512 : i32
      %mul3A_222 = arith.muli %add3A_184, %mul3A_221 : i32
      %add3A_223 = arith.addi %multiple_of3A_5, %mul3A_222 : i32
      %multiple_of3A_224 = tpu.assume_multiple %add3A_223, 512 : i32
      %dma_start3A_225 = arith.constant 0 : i32
      %dma_start3A_226 = tpu.memref_slice %arg6[%multiple_of3A_220, %dma_start3A_225] : memref<1536x64xf32, #tpu.memory_space<vmem>> -> memref<512x64xf32, #tpu.memory_space<vmem>>
      %dma_start3A_227 = arith.constant 0 : i32
      %dma_start3A_228 = tpu.memref_slice %arg4[%multiple_of3A_224, %dma_start3A_227] : memref<819200x128xf32, #tpu.memory_space<hbm>> -> memref<512x64xf32, #tpu.memory_space<hbm>>
      %dma_start3A_229 = tpu.memref_slice %arg8[%rem3A_217] : memref<3x!tpu.dma_semaphore, #tpu.memory_space<semaphore_mem>> -> memref<1x!tpu.dma_semaphore, #tpu.memory_space<semaphore_mem>>
      %dma_start3A_230 = tpu.memref_squeeze %dma_start3A_229 : memref<1x!tpu.dma_semaphore, #tpu.memory_space<semaphore_mem>> -> memref<!tpu.dma_semaphore, #tpu.memory_space<semaphore_mem>>
      %dma_start3A_231 = arith.constant 0 : i32
      %dma_start3A_232 = tpu.memref_slice %arg4[%multiple_of3A_224, %dma_start3A_231] : memref<819200x128xf32, #tpu.memory_space<hbm>> -> memref<512x64xf32, #tpu.memory_space<hbm>>
      %dma_start3A_233 = arith.constant 0 : i32
      %dma_start3A_234 = tpu.memref_slice %arg6[%multiple_of3A_220, %dma_start3A_233] : memref<1536x64xf32, #tpu.memory_space<vmem>> -> memref<512x64xf32, #tpu.memory_space<vmem>>
      tpu.enqueue_dma source(%dma_start3A_234 : memref<512x64xf32, #tpu.memory_space<vmem>>) target(%dma_start3A_232 : memref<512x64xf32, #tpu.memory_space<hbm>>) target_semaphore(%dma_start3A_230 : memref<!tpu.dma_semaphore, #tpu.memory_space<semaphore_mem>>)
    }
    %scan3A_123 = arith.constant 50 : i32
    %rem3A_124 = arith.constant 47 : i32
    %rem3A_125 = arith.constant 3 : i32
    %rem3A_126 = arith.remsi %rem3A_124, %rem3A_125 : i32
    %mul3A_127 = arith.constant 512 : i32
    %mul3A_128 = arith.muli %rem3A_126, %mul3A_127 : i32
    %multiple_of3A_129 = tpu.assume_multiple %mul3A_128, 512 : i32
    %add3A_130 = arith.constant 24064 : i32
    %add3A_131 = arith.addi %multiple_of3A_5, %add3A_130 : i32
    %multiple_of3A_132 = tpu.assume_multiple %add3A_131, 512 : i32
    %dma_wait3A = arith.constant 0 : i32
    %dma_wait3A_133 = tpu.memref_slice %arg6[%multiple_of3A_129, %dma_wait3A] : memref<1536x64xf32, #tpu.memory_space<vmem>> -> memref<512x64xf32, #tpu.memory_space<vmem>>
    %dma_wait3A_134 = arith.constant 0 : i32
    %dma_wait3A_135 = tpu.memref_slice %arg4[%multiple_of3A_132, %dma_wait3A_134] : memref<819200x128xf32, #tpu.memory_space<hbm>> -> memref<512x64xf32, #tpu.memory_space<hbm>>
    %dma_wait3A_136 = tpu.memref_slice %arg8[%rem3A_126] : memref<3x!tpu.dma_semaphore, #tpu.memory_space<semaphore_mem>> -> memref<1x!tpu.dma_semaphore, #tpu.memory_space<semaphore_mem>>
    %dma_wait3A_137 = tpu.memref_squeeze %dma_wait3A_136 : memref<1x!tpu.dma_semaphore, #tpu.memory_space<semaphore_mem>> -> memref<!tpu.dma_semaphore, #tpu.memory_space<semaphore_mem>>
    %dma_wait3A_138 = arith.constant 0 : i32
    %dma_wait3A_139 = tpu.memref_slice %arg4[%multiple_of3A_132, %dma_wait3A_138] : memref<819200x128xf32, #tpu.memory_space<hbm>> -> memref<512x64xf32, #tpu.memory_space<hbm>>
    %dma_wait3A_140 = arith.constant 0 : i32
    %dma_wait3A_141 = tpu.memref_slice %arg6[%multiple_of3A_129, %dma_wait3A_140] : memref<1536x64xf32, #tpu.memory_space<vmem>> -> memref<512x64xf32, #tpu.memory_space<vmem>>
    tpu.wait_dma2 semaphore(%dma_wait3A_137 : memref<!tpu.dma_semaphore, #tpu.memory_space<semaphore_mem>>) src(%dma_wait3A_141 : memref<512x64xf32, #tpu.memory_space<vmem>>) dst(%dma_wait3A_139 : memref<512x64xf32, #tpu.memory_space<hbm>>)
    %rem3A_142 = arith.constant 48 : i32
    %rem3A_143 = arith.constant 3 : i32
    %rem3A_144 = arith.remsi %rem3A_142, %rem3A_143 : i32
    %mul3A_145 = arith.constant 512 : i32
    %mul3A_146 = arith.muli %rem3A_144, %mul3A_145 : i32
    %multiple_of3A_147 = tpu.assume_multiple %mul3A_146, 512 : i32
    %add3A_148 = arith.constant 24576 : i32
    %add3A_149 = arith.addi %multiple_of3A_5, %add3A_148 : i32
    %multiple_of3A_150 = tpu.assume_multiple %add3A_149, 512 : i32
    %dma_wait3A_151 = arith.constant 0 : i32
    %dma_wait3A_152 = tpu.memref_slice %arg6[%multiple_of3A_147, %dma_wait3A_151] : memref<1536x64xf32, #tpu.memory_space<vmem>> -> memref<512x64xf32, #tpu.memory_space<vmem>>
    %dma_wait3A_153 = arith.constant 0 : i32
    %dma_wait3A_154 = tpu.memref_slice %arg4[%multiple_of3A_150, %dma_wait3A_153] : memref<819200x128xf32, #tpu.memory_space<hbm>> -> memref<512x64xf32, #tpu.memory_space<hbm>>
    %dma_wait3A_155 = tpu.memref_slice %arg8[%rem3A_144] : memref<3x!tpu.dma_semaphore, #tpu.memory_space<semaphore_mem>> -> memref<1x!tpu.dma_semaphore, #tpu.memory_space<semaphore_mem>>
    %dma_wait3A_156 = tpu.memref_squeeze %dma_wait3A_155 : memref<1x!tpu.dma_semaphore, #tpu.memory_space<semaphore_mem>> -> memref<!tpu.dma_semaphore, #tpu.memory_space<semaphore_mem>>
    %dma_wait3A_157 = arith.constant 0 : i32
    %dma_wait3A_158 = tpu.memref_slice %arg4[%multiple_of3A_150, %dma_wait3A_157] : memref<819200x128xf32, #tpu.memory_space<hbm>> -> memref<512x64xf32, #tpu.memory_space<hbm>>
    %dma_wait3A_159 = arith.constant 0 : i32
    %dma_wait3A_160 = tpu.memref_slice %arg6[%multiple_of3A_147, %dma_wait3A_159] : memref<1536x64xf32, #tpu.memory_space<vmem>> -> memref<512x64xf32, #tpu.memory_space<vmem>>
    tpu.wait_dma2 semaphore(%dma_wait3A_156 : memref<!tpu.dma_semaphore, #tpu.memory_space<semaphore_mem>>) src(%dma_wait3A_160 : memref<512x64xf32, #tpu.memory_space<vmem>>) dst(%dma_wait3A_158 : memref<512x64xf32, #tpu.memory_space<hbm>>)
    %rem3A_161 = arith.constant 49 : i32
    %rem3A_162 = arith.constant 3 : i32
    %rem3A_163 = arith.remsi %rem3A_161, %rem3A_162 : i32
    %mul3A_164 = arith.constant 512 : i32
    %mul3A_165 = arith.muli %rem3A_163, %mul3A_164 : i32
    %multiple_of3A_166 = tpu.assume_multiple %mul3A_165, 512 : i32
    %add3A_167 = arith.constant 25088 : i32
    %add3A_168 = arith.addi %multiple_of3A_5, %add3A_167 : i32
    %multiple_of3A_169 = tpu.assume_multiple %add3A_168, 512 : i32
    %dma_wait3A_170 = arith.constant 0 : i32
    %dma_wait3A_171 = tpu.memref_slice %arg6[%multiple_of3A_166, %dma_wait3A_170] : memref<1536x64xf32, #tpu.memory_space<vmem>> -> memref<512x64xf32, #tpu.memory_space<vmem>>
    %dma_wait3A_172 = arith.constant 0 : i32
    %dma_wait3A_173 = tpu.memref_slice %arg4[%multiple_of3A_169, %dma_wait3A_172] : memref<819200x128xf32, #tpu.memory_space<hbm>> -> memref<512x64xf32, #tpu.memory_space<hbm>>
    %dma_wait3A_174 = tpu.memref_slice %arg8[%rem3A_163] : memref<3x!tpu.dma_semaphore, #tpu.memory_space<semaphore_mem>> -> memref<1x!tpu.dma_semaphore, #tpu.memory_space<semaphore_mem>>
    %dma_wait3A_175 = tpu.memref_squeeze %dma_wait3A_174 : memref<1x!tpu.dma_semaphore, #tpu.memory_space<semaphore_mem>> -> memref<!tpu.dma_semaphore, #tpu.memory_space<semaphore_mem>>
    %dma_wait3A_176 = arith.constant 0 : i32
    %dma_wait3A_177 = tpu.memref_slice %arg4[%multiple_of3A_169, %dma_wait3A_176] : memref<819200x128xf32, #tpu.memory_space<hbm>> -> memref<512x64xf32, #tpu.memory_space<hbm>>
    %dma_wait3A_178 = arith.constant 0 : i32
    %dma_wait3A_179 = tpu.memref_slice %arg6[%multiple_of3A_166, %dma_wait3A_178] : memref<1536x64xf32, #tpu.memory_space<vmem>> -> memref<512x64xf32, #tpu.memory_space<vmem>>
    tpu.wait_dma2 semaphore(%dma_wait3A_175 : memref<!tpu.dma_semaphore, #tpu.memory_space<semaphore_mem>>) src(%dma_wait3A_179 : memref<512x64xf32, #tpu.memory_space<vmem>>) dst(%dma_wait3A_177 : memref<512x64xf32, #tpu.memory_space<hbm>>)
    return
  }
}

</mosaic_0001>

<sc_bundles>
// kernel: kernel.3.cloned.1.call-start
scs
__scs_entry_jumppad:
0x0: {  	(pc) =	sbr.rel $0x88, $3  }
0x1: {  	(tag) =	ssettag $0x0;
	lr =	simm.s32 $0x1  }
0x2: {  	[smem:$0x3F9F] =	sst lr;
	_ =	strace $0xD0000000  }
0x3: {  	_ = 	snop  }
0x4: {  	_ = 	snop  }
0x5: {  	_ = 	snop  }
0x6: {  	_ = 	snop  }
0x7: {  	_ = 	snop  }
__scs_overlays_trampoline_lowered:
0x8: {  	[smem:$0x3FAE] =	sst s0  }
0x9: {  	[smem:$0x3FAF] =	sst s1  }
0xa: {  	[smem:$0x3FB0] =	sst s2  }
0xb: {  	[smem:$0x3FB1] =	sst s3  }
0xc: {  	[smem:$0x3FB2] =	sst s4  }
0xd: {  	[smem:$0x3FB3] =	sst s5  }
0xe: {  	[smem:$0x3FB4] =	sst s6  }
0xf: {  	[smem:$0x3FB5] =	sst s7  }
0x10: {  	[smem:$0x3FB6] =	sst s8  }
0x11: {  	[smem:$0x3FB7] =	sst s9;
	s0 =	simm.s32 @!p0 $0x0  }
0x12: {  	s1 =	sld [smem:$0x3F9D];
	s0 =	simm.s32 @p0 $0x1  }
0x13: {  	[smem:$0x3FB8] =	sst s0;
	s0 =	simm.s32 @!p1 $0x0  }
0x14: {  	s2 =	sld [smem:$0x3F9C];
	s0 =	simm.s32 @p1 $0x1  }
0x15: {  	[smem:$0x3FB9] =	sst s0;
	s0 =	simm.s32 @!p2 $0x0  }
0x16: {  	s3 =	sld [smem:$0x3FDB];
	s0 =	simm.s32 @p2 $0x1  }
0x17: {  	s4 =	simm.s32 $0x1BF5;
	[smem:$0x3FBB] =	sst s0  }
0x18: {  	s0 =	sld [smem:$0x3F9E];
	_ =	swait.ge [sflag:s4], $0x0  }
0x19: {  	s7 =	sld [smem:$0x3F9F]  }
0x1a: {  	s8 =	sadd.s32 $0xFFFFE003, lr  }
0x1b: {  	s9 =	sadd.s32 $0xFFFFFEF7, lr;
	s5 =	simm.s32 $0xFFFFFFFF;
	p2 =	slt.u32 s8, $0xFFFFF086  }
0x1c: {  	p1 =	slt.u32 s9, $0xF7A;
	s5 =	simm.s32 @!p2 $0x0  }
0x1d: {  	s5 =	simm.s32 @p1 $0x1;
	p0 =	seq.s32 s7, s2  }
0x1e: {  	s7 =	smul.u32 @!p0 $0xF7A, s2;
	p2 =	seq.s32 @!p0 s5, $0x0  }
0x1f: {  	s9 =	smul.u32 $0xF7A, s1;
	s8 =	simm.s32 @!p0 $0x1BF5;
	p2 =	por !p2, p0  }
0x20: {  	[sflag:s8] =	ssyncset.s32 @!p0 $0xFFFFF086;
	s6 =	sadd.s32 @!p0 s3, s7;
	s7 =	simm.s32 @!p0 $0x108  }
0x21: {  	s3 =	sadd.s32 s3, s9;
	s6 =	sadd.s32 @!p0 $0x88, s6;
	s7 =	simm.s32 @p2 $0x1082  }
0x22: {  	[simem:s7], [sflag:s8] =	dma.local @!p0 [hbm:s6], $0xF7A  }
0x23: {  	s9 =	sor.u32 $0xD0000000, s2;
	s6 =	simm.s32 $0x108;
	_ =	swait.ge @!p0 [sflag:s8], $0x0  }
0x24: {  	s3 =	sadd.s32 $0x88, s3;
	s6 =	simm.s32 @!p1 $0x1082;
	[sflag:s4] =	ssyncset.s32 $0xFFFFF086  }
0x25: {  	[simem:s6], [sflag:s4] =	dma.local [hbm:s3], $0xF7A  }
0x26: {  	[smem:$0x3F9F] =	sst s1;
	(tag) =	ssettag s2;
	_ =	strace s9  }
0x27: {  	s1 =	sld [smem:$0x3FAF]  }
0x28: {  	s2 =	sld [smem:$0x3FB0]  }
0x29: {  	s4 =	sld [smem:$0x3FB2]  }
0x2a: {  	p0 =	seq.s32 s5, $0x0;
	s5 =	sld [smem:$0x3FB3]  }
0x2b: {  	s6 =	sld [smem:$0x3FB4]  }
0x2c: {  	s7 =	sld [smem:$0x3FB5]  }
0x2d: {  	s3 =	simm.s32 $0x108;
	s8 =	sld [smem:$0x3FB6]  }
0x2e: {  	s3 =	simm.s32 @!p0 $0x1082;
	s9 =	sld [smem:$0x3FB7]  }
0x2f: {  	lr =	sadd.s32 s0, s3;
	s0 =	sld [smem:$0x3FAE]  }
0x30: {  	s3 =	sld [smem:$0x3FB1]  }
0x31: {  	[smem:$0x3FBA] =	sst s10  }
0x32: {  	s10 =	sld [smem:$0x3FB8];
	_ =	sdelay $0x3  }
0x33: {  	p0 =	seq.s32 s10, $0x1;
	s10 =	sld [smem:$0x3FBA];
	_ =	sdelay $0x3  }
0x34: {  	[smem:$0x3FBA] =	sst s10  }
0x35: {  	s10 =	sld [smem:$0x3FB9];
	_ =	sdelay $0x3  }
0x36: {  	p1 =	seq.s32 s10, $0x1;
	s10 =	sld [smem:$0x3FBA];
	_ =	sdelay $0x3  }
0x37: {  	[smem:$0x3FBA] =	sst s10  }
0x38: {  	s10 =	sld [smem:$0x3FBB]  }
0x39: {  	_ = 	snop;
	(pc) =	sbr.ind lr, $3  }
0x3a: {  	_ = 	snop  }
0x3b: {  	_ = 	snop  }
0x3c: {  	p2 =	seq.s32 s10, $0x1;
	s10 =	sld [smem:$0x3FBA]  }
0x3d: {  	_ =	shalt  }
0x3e: {  	_ =	shalt  }
0x3f: {  	_ =	shalt  }
0x40: {  	_ =	shalt  }
0x41: {  	_ =	shalt  }
0x42: {  	_ =	shalt  }
0x43: {  	_ =	shalt  }
0x44: {  	_ =	shalt  }
0x45: {  	_ =	shalt  }
0x46: {  	_ =	shalt  }
0x47: {  	_ =	shalt  }
0x48: {  	_ =	shalt  }
0x49: {  	_ =	shalt  }
0x4a: {  	_ =	shalt  }
0x4b: {  	_ =	shalt  }
0x4c: {  	_ =	shalt  }
0x4d: {  	_ =	shalt  }
0x4e: {  	_ =	shalt  }
0x4f: {  	_ =	shalt  }
0x50: {  	_ =	shalt  }
0x51: {  	_ =	shalt  }
0x52: {  	_ =	shalt  }
0x53: {  	_ =	shalt  }
0x54: {  	_ =	shalt  }
0x55: {  	_ =	shalt  }
0x56: {  	_ =	shalt  }
0x57: {  	_ =	shalt  }
0x58: {  	_ =	shalt  }
0x59: {  	_ =	shalt  }
0x5a: {  	_ =	shalt  }
0x5b: {  	_ =	shalt  }
0x5c: {  	_ =	shalt  }
0x5d: {  	_ =	shalt  }
0x5e: {  	_ =	shalt  }
0x5f: {  	_ =	shalt  }
0x60: {  	_ =	shalt  }
0x61: {  	_ =	shalt  }
0x62: {  	_ =	shalt  }
0x63: {  	_ =	shalt  }
0x64: {  	_ =	shalt  }
0x65: {  	_ =	shalt  }
0x66: {  	_ =	shalt  }
0x67: {  	_ =	shalt  }
0x68: {  	_ =	shalt  }
0x69: {  	_ =	shalt  }
0x6a: {  	_ =	shalt  }
0x6b: {  	_ =	shalt  }
0x6c: {  	_ =	shalt  }
0x6d: {  	_ =	shalt  }
0x6e: {  	_ =	shalt  }
0x6f: {  	_ =	shalt  }
0x70: {  	_ =	shalt  }
0x71: {  	_ =	shalt  }
0x72: {  	_ =	shalt  }
0x73: {  	_ =	shalt  }
0x74: {  	_ =	shalt  }
0x75: {  	_ =	shalt  }
0x76: {  	_ =	shalt  }
0x77: {  	_ =	shalt  }
0x78: {  	_ =	shalt  }
0x79: {  	_ =	shalt  }
0x7a: {  	_ =	shalt  }
0x7b: {  	_ =	shalt  }
0x7c: {  	_ =	shalt  }
0x7d: {  	_ =	shalt  }
0x7e: {  	_ =	shalt  }
0x7f: {  	_ =	shalt  }
0x80: {  	_ =	shalt  }
0x81: {  	_ =	shalt  }
0x82: {  	_ =	shalt  }
0x83: {  	_ =	shalt  }
0x84: {  	_ =	shalt  }
0x85: {  	_ =	shalt  }
0x86: {  	_ =	shalt  }
0x87: {  	_ =	shalt  }
.Lfunc_end0:
.L_simem_size_0:
called_computation.1_lowered:
.L_overlay_start_0:
0x88: {  	s2 =	sld [smem:$0x3FD9]  }
0x89: {  	s3 =	sld [smem:$0x3FFE];
	_ =	sdelay $0x1  }
0x8a: {  	s1 =	srdreg.scid  }
0x8b: {  	s0 =	sand.u32 $0x1, s1  }
0x8c: {  	s17 =	sshll.u32 s0, $0xA;
	s2 =	sadd.s32 s3, s2  }
0x8d: {  	s2 =	sadd.s32 s2, s17  }
0x8e: {  	[smem:$0x3FC6] =	sst s2  }
0x8f: {  	_ = 	snop  }
0x90: {  	s2 =	sld [smem:$0x3FD0];
	(tm) =	ssettm $0x1  }
0x91: {  	s18 =	sld [smem:$0x3FFB];
	_ =	sdelay $0x3  }
0x92: {  	_ =	strace s18  }
0x93: {  	s3 =	sld [smem:$0x3FFC];
	_ =	sdelay $0x3  }
0x94: {  	_ =	strace s3  }
0x95: {  	s3 =	sld [smem:$0x3FFD];
	_ =	sdelay $0x3  }
0x96: {  	_ =	strace s3  }
0x97: {  	_ =	strace $0x8FFFFFFF  }
0x98: {  	s19 =	sld [smem:$0x3FDB];
	_ =	sdelay $0x1  }
0x99: {  	s4 =	simm.s32 $_scs_section_size  }
0x9a: {  	s5 =	simm.s32 $_size__tile_overlayer_lowered;
	s6 =	simm.s32 $_tile_overlayer_lowered  }
0x9b: {  	s22 =	simm.s32 $0x1BFF;
	s21 =	sshll.u32 s6, $0x1;
	s3 =	sadd.s32 s4, s19  }
0x9c: {  	s7 =	simm.s32 $0x0;
	s20 =	sshll.u32 s5, $0x1;
	s5 =	sadd.s32 s21, s3  }
0x9d: {  	[timem:s7], [sflag:s22] =	dma.local [hbm:s5], s20  }
0x9e: {  	_ =	swait.ge [sflag:s22], s20  }
0x9f: {  	s4 =	ssub.s32 $0x0, s20;
	[sflag:s22] =	ssyncset.done $0x0  }
0xa0: {  	[sflag:s22] =	ssyncadd.s32 s4;
	_ =	sdelay $0x1  }
0xa1: {  	s23 =	simm.s32 $0x1B8B  }
0xa2: {  	_ =	swait.ge [sflag:s23], $0x1  }
0xa3: {  	[sflag:s23] =	ssyncset.done $0x0  }
0xa4: {  	s25 =	simm.s32 $0x1B8E;
	s24 =	sld [smem:$0x3FFE];
	[sflag:s23] =	ssyncadd.s32 $0xFFFFFFFF  }
0xa5: {  	s26 =	simm.s32 $execute0_lowered;
	[smem:$0x3FD2] =	sst s25  }
0xa6: {  	s5 =	sshll.u32 s26, $0x1;
	_ =	strace $0x80000046;
	[dreg:$0x1] =	wrdreg $0xFFFFFFFF  }
0xa7: {  	s28 =	simm.s32 $_size_execute0_lowered;
	s3 =	sadd.s32 s3, s5;
	[dreg:$0x0] =	wrdreg $0x0  }
0xa8: {  	s5 =	sshll.u32 s28, $0x1;
	[dreg:$0x2] =	wrdreg s3  }
0xa9: {  	[dreg:$0x3] =	wrdreg s5  }
0xaa: {  	[dreg:$0x4] =	wrdreg $0xC0  }
0xab: {  	_ =	task [dreg:s7], $0x5FFFF  }
0xac: {  	[dreg:$0x1] =	wrdreg $0xFFFFFFFF  }
0xad: {  	[dreg:$0x0] =	wrdreg $0x60  }
0xae: {  	[dreg:$0x2] =	wrdreg s2  }
0xaf: {  	[dreg:$0x3] =	wrdreg s24  }
0xb0: {  	[dreg:$0x4] =	wrdreg $0x9  }
0xb1: {  	_ =	task.clear_ibuf [dreg:s7], $0x5FFFF;
	_ =	strace $0x90000046  }
0xb2: {  	s29 =	simm.s32 $0x9;
	_ =	strace $0x80000048  }
0xb3: {  	_ =	swait.ge [sflag:s29], $0x1  }
0xb4: {  	[sflag:s29] =	ssyncadd.s32 $0xFFFFFFFF  }
0xb5: {  	_ =	strace $0x90000048  }
0xb6: {  	_ =	sfence  }
0xb7: {  	s30 =	sld [smem:$0x0];
	_ =	sdelay $0x2  }
0xb8: {  	s31 =	sshll.u32 s1, $0xD;
	s1 =	sshrl.u32 s1, $0x2  }
0xb9: {  	s3 =	sand.u32 $0x4000, s31;
	s1 =	sadd.s32 s1, s30  }
0xba: {  	s0 =	sor.u32 s3, s0;
	s1 =	sshll.u32 s1, $0x11  }
0xbb: {  	s0 =	sor.u32 s1, s0  }
0xbc: {  	s0 =	sadd.s32 $0x8F2B, s0  }
0xbd: {  	[sflag:s0] =	ssyncadd.remote.s32 $0x1  }
0xbe: {  	_ =	sfence.sel $0xFFFF  }
0xbf: {  	[dreg:$0x0] =	wrdreg $0xFFFFFFFF;
	(pc) =	sbr.abs _section_cstart, $3  }
0xc0: {  	[dreg:$0x1] =	wrdreg $0xFFFFFFFF  }
0xc1: {  	_ =	task.clear_ibuf [dreg:s7], $0x2FFFF;
	_ =	strace $0x9FFFFFFF  }
0xc2: {  	(tm) =	ssettm $0x7FFFFFFF  }
0xc3: {  	_ =	shalt  }
tec
execute0_lowered:
.L_overlay_start_1:
0x0: {  	(tag) =	ssettag $0x1  }
0x1: {  	s0 =	rddreg [dreg:$0x0]  }
0x2: {  	s1 =	rddreg [dreg:$0x1]  }
0x3: {  	s3 =	srdreg.scid;
	s4 =	stileid.u32;
	s2 =	simm.s32 $0x0  }
0x4: {  	s8 =	simm.s32 $0x7;
	s9 =	simm.s32 $0x80;
	s17 =	simm.s32 $0x280  }
0x5: {  	s18 =	simm.s32 $0x10400;
	s19 =	simm.s32 $0x300;
	s20 =	simm.s32 $0x12400  }
0x6: {  	s21 =	simm.s32 $0x380;
	s22 =	simm.s32 $0x14400;
	s23 =	simm.s32 $0x40  }
0x7: {  	s24 =	simm.s32 $0x6;
	s25 =	simm.s32 $0x4;
	s26 =	simm.s32 $0x5  }
0x8: {  	s28 =	simm.s32 $0x0;
	s3 =	sand.u32 $0x1, s3;
	s4 =	sshll.u32 s4, $0x1  }
0x9: {  	[smem:$0x7FF] =	sst s2;
	s6 =	sor.u32 s3, s4;
	s5 =	ssub.s32 $0x2, s3  }
0xa: {  	_ =	strace $0x80000047;
	s7 =	smul.u32 $0xC80, s6;
	s31 =	sshrl.u32 s5, $0x1  }
0xb: {  	s3 =	sadd.s32 $0xF42E00, s1;
	s4 =	sadd.s32 $0xA00, s1;
	s1 =	ssub.s32 s5, s31  }
0xc: {  	s6 =	smul.u32 $0x320000, s6;
	s5 =	sadd.s32 s0, s7;
	s7 =	smax.u32 s1, $0x1  }
.LBB2_1:
0xd: {  	[tilespmem:s2], [sflag:$0x7] =	stream.linear.gather [hbm4b:s5+s2], $0x6400, $0x38;
	[tilespmem:$0x1E400] =	vst v63  }
0xe: {  	_ =	swait.ge [sflag:s8], $0x6400  }
0xf: {  	[sflag:s8] =	ssyncset.done $0x0  }
0x10: {  	s16 =	simm.s32 $0x6400;
	[sflag:s8] =	ssyncadd.s32 $0xFFFF9C00  }
0x11: {  	[tilespmem:s16], [sflag:$0x1] =	stream.indirect.gather [hbm4b:s3+s9], $0x40, s2, s9, $0xb8;
	[tilespmem:$0x1E400] =	vst v63  }
0x12: {  	s0 =	simm.s32 $0x8400  }
0x13: {  	[tilespmem:s0], [sflag:$0x1] =	stream.indirect.gather [hbm4b:s3+s9], $0x40, s9, s9, $0xb8;
	[tilespmem:$0x1E400] =	vst v63  }
0x14: {  	s13 =	simm.s32 $0x100;
	s1 =	simm.s32 $0xA400  }
0x15: {  	[tilespmem:s1], [sflag:$0x1] =	stream.indirect.gather [hbm4b:s3+s9], $0x40, s13, s9, $0xb8;
	[tilespmem:$0x1E400] =	vst v63  }
0x16: {  	s14 =	simm.s32 $0x180;
	s15 =	simm.s32 $0xC400  }
0x17: {  	[tilespmem:s15], [sflag:$0x1] =	stream.indirect.gather [hbm4b:s3+s9], $0x40, s14, s9, $0xb8;
	[tilespmem:$0x1E400] =	vst v63  }
0x18: {  	s29 =	simm.s32 $0x200;
	s31 =	simm.s32 $0xE400  }
0x19: {  	[tilespmem:s31], [sflag:$0x2] =	stream.indirect.gather [hbm4b:s3+s9], $0x40, s29, s9, $0xb8;
	[tilespmem:$0x1E400] =	vst v63  }
0x1a: {  	_ = 	snop  }
0x1b: {  	[tilespmem:s18], [sflag:$0x2] =	stream.indirect.gather [hbm4b:s3+s9], $0x40, s17, s9, $0xb8;
	[tilespmem:$0x1E400] =	vst v63  }
0x1c: {  	_ = 	snop  }
0x1d: {  	[tilespmem:s20], [sflag:$0x2] =	stream.indirect.gather [hbm4b:s3+s9], $0x40, s19, s9, $0xb8;
	[tilespmem:$0x1E400] =	vst v63  }
0x1e: {  	s30 =	simm.s32 $0x0  }
0x1f: {  	[tilespmem:s22], [sflag:$0x2] =	stream.indirect.gather [hbm4b:s3+s9], $0x40, s21, s9, $0xb8;
	[tilespmem:$0x1E400] =	vst v63  }
.LBB2_2:
0x20: {  	p0 =	sgt.u32 s30, $0x2F  }
0x21: {  	p1 =	seq.s32 @!p0 s30, $0x0  }
0x22: {  	p1 =	por p1, p0  }
0x23: {  	s0 =	sadd.s32 @!p1 $0xFFFFFFFF, s30  }
0x24: {  	s1 =	sand.u32 @!p1 $0xFF, s0  }
0x25: {  	s10 =	sadd.s32 $0x2, s30;
	s1 =	smul.u32 @!p1 $0xAB, s1  }
0x26: {  	s11 =	smul.u32 @!p0 $0xAB, s10  }
0x27: {  	s1 =	sshrl.u32 @!p1 s1, $0x9  }
0x28: {  	s11 =	sshrl.u32 @!p0 s11, $0x9;
	s1 =	smul.u32 @!p1 $0x3, s1  }
0x29: {  	s15 =	smul.u32 $0xAB, s30;
	s11 =	sand.u32 @!p0 $0x7F, s11  }
0x2a: {  	s0 =	ssub.s32 @!p1 s0, s1;
	s1 =	smul.u32 @!p0 $0x3, s11  }
0x2b: {  	s12 =	simm.s32 @!p0 $0x80;
	s0 =	sor.u32 @!p1 $0x4, s0  }
0x2c: {  	s15 =	sshrl.u32 s15, $0x9;
	s0 =	sand.u32 @!p1 $0xFF, s0;
	s1 =	ssub.s32 @!p0 s10, s1  }
0x2d: {  	s10 =	sshll.u32 @!p0 s10, $0x9;
	_ =	swait.ge @!p1 [sflag:s0], $0x8000;
	s1 =	sand.u32 @!p0 $0xFF, s1  }
0x2e: {  	s10 =	sand.u32 @!p0 $0x3FFFFE00, s10;
	[sflag:s0] =	ssyncset.done @!p1 $0x0;
	s11 =	sshll.u32 @!p0 s1, $0xF  }
0x2f: {  	s1 =	sadd.s32 @!p0 $0x1, s1;
	[sflag:s0] =	ssyncadd.s32 @!p1 $0xFFFF8000;
	s0 =	sor.u32 @!p0 $0x6400, s11  }
0x30: {  	[tilespmem:s0], [sflag:s1] =	stream.indirect.gather @!p0 [hbm4b:s3+s12], $0x40, s10, s12, $0xb8;
	[tilespmem:$0x1E400] =	vst v63  }
0x31: {  	s14 =	sor.u32 @!p0 $0x80, s10;
	s13 =	sadd.s32 @!p0 $0x8400, s11;
	s0 =	smulhi.u32 $0xAAAAAAAB, s30  }
0x32: {  	[tilespmem:s13], [sflag:s1] =	stream.indirect.gather @!p0 [hbm4b:s3+s12], $0x40, s14, s12, $0xb8;
	[tilespmem:$0x1E400] =	vst v63  }
0x33: {  	s13 =	sadd.s32 @!p0 $0xA400, s11;
	s14 =	sor.u32 @!p0 $0x100, s10;
	s0 =	sshrl.u32 s0, $0x1  }
0x34: {  	[tilespmem:s13], [sflag:s1] =	stream.indirect.gather @!p0 [hbm4b:s3+s12], $0x40, s14, s12, $0xb8;
	[tilespmem:$0x1E400] =	vst v63  }
0x35: {  	s0 =	smul.u32 $0xFFFA0000, s0;
	s13 =	sand.u32 $0x7F, s15  }
0x36: {  	s11 =	sadd.s32 @!p0 $0xC400, s11;
	s10 =	sor.u32 @!p0 $0x180, s10;
	s13 =	smul.u32 $0x3, s13  }
0x37: {  	[tilespmem:s11], [sflag:s1] =	stream.indirect.gather @!p0 [hbm4b:s3+s12], $0x40, s10, s12, $0xb8;
	[tilespmem:$0x1E400] =	vst v63  }
0x38: {  	s0 =	sshra.s32 s0, $0x2;
	s14 =	ssub.s32 s30, s13  }
0x39: {  	v0 =	vmov s0;
	s31 =	sand.u32 $0xFF, s14  }
0x3a: {  	s15 =	sadd.s32 $0x1, s31  }
0x3b: {  	_ =	swait.ge [sflag:s15], $0x8000  }
0x3c: {  	[sflag:s15] =	ssyncset.done $0x0  }
0x3d: {  	[sflag:s15] =	ssyncadd.s32 $0xFFFF8000  }
0x3e: {  	v1 =	vld.idx.msk [tilespmem:v0+s16+$0x0 ss:$0x1], $0xffff;
	_ =	sdelay $0x4  }
0x3f: {  	v1 =	vmul.f32 $8.000000000e+00, v1;
	_ =	sdelay $0x1  }
0x40: {  	[tilespmem:v0+s16+$0x0 ss:$0x1] =	vst.idx.msk $0xffff, v1  }
0x41: {  	v1 =	vld.idx.msk [tilespmem:v0+s16+$0x10 ss:$0x1], $0xffff;
	_ =	sdelay $0x4  }
0x42: {  	v1 =	vmul.f32 $8.000000000e+00, v1;
	_ =	sdelay $0x1  }
0x43: {  	[tilespmem:v0+s16+$0x10 ss:$0x1] =	vst.idx.msk $0xffff, v1  }
0x44: {  	v1 =	vld.idx.msk [tilespmem:v0+s16+$0x20 ss:$0x1], $0xffff;
	_ =	sdelay $0x4  }
0x45: {  	v1 =	vmul.f32 $8.000000000e+00, v1;
	_ =	sdelay $0x1  }
0x46: {  	[tilespmem:v0+s16+$0x20 ss:$0x1] =	vst.idx.msk $0xffff, v1  }
0x47: {  	v1 =	vld.idx.msk [tilespmem:v0+s16+$0x30 ss:$0x1], $0xffff;
	_ =	sdelay $0x4  }
0x48: {  	v1 =	vmul.f32 $8.000000000e+00, v1;
	_ =	sdelay $0x1  }
0x49: {  	[tilespmem:v0+s16+$0x30 ss:$0x1] =	vst.idx.msk $0xffff, v1  }
0x4a: {  	s12 =	sadd.s32 $0x200, s16;
	v1 =	vld.idx.msk [tilespmem:v0+s16+$0x40 ss:$0x1], $0xffff  }
0x4b: {  	v2 =	vld.idx.msk [tilespmem:v0+s12+$0x0 ss:$0x1], $0xffff;
	_ =	sdelay $0x3  }
0x4c: {  	v1 =	vmul.f32 $8.000000000e+00, v1  }
0x4d: {  	v2 =	vmul.f32 $8.000000000e+00, v2  }
0x4e: {  	[tilespmem:v0+s16+$0x40 ss:$0x1] =	vst.idx.msk $0xffff, v1  }
0x4f: {  	[tilespmem:v0+s12+$0x0 ss:$0x1] =	vst.idx.msk $0xffff, v2;
	v1 =	vld.idx.msk [tilespmem:v0+s16+$0x50 ss:$0x1], $0xffff  }
0x50: {  	v2 =	vld.idx.msk [tilespmem:v0+s12+$0x10 ss:$0x1], $0xffff;
	_ =	sdelay $0x3  }
0x51: {  	v1 =	vmul.f32 $8.000000000e+00, v1  }
0x52: {  	v2 =	vmul.f32 $8.000000000e+00, v2  }
0x53: {  	[tilespmem:v0+s16+$0x50 ss:$0x1] =	vst.idx.msk $0xffff, v1  }
0x54: {  	[tilespmem:v0+s12+$0x10 ss:$0x1] =	vst.idx.msk $0xffff, v2;
	v1 =	vld.idx.msk [tilespmem:v0+s16+$0x60 ss:$0x1], $0xffff  }
0x55: {  	v2 =	vld.idx.msk [tilespmem:v0+s12+$0x20 ss:$0x1], $0xffff;
	_ =	sdelay $0x3  }
0x56: {  	v1 =	vmul.f32 $8.000000000e+00, v1  }
0x57: {  	v2 =	vmul.f32 $8.000000000e+00, v2  }
0x58: {  	[tilespmem:v0+s16+$0x60 ss:$0x1] =	vst.idx.msk $0xffff, v1  }
0x59: {  	[tilespmem:v0+s12+$0x20 ss:$0x1] =	vst.idx.msk $0xffff, v2;
	v1 =	vld.idx.msk [tilespmem:v0+s16+$0x70 ss:$0x1], $0xffff  }
0x5a: {  	v2 =	vld.idx.msk [tilespmem:v0+s12+$0x30 ss:$0x1], $0xffff;
	_ =	sdelay $0x3  }
0x5b: {  	v1 =	vmul.f32 $8.000000000e+00, v1  }
0x5c: {  	v2 =	vmul.f32 $8.000000000e+00, v2  }
0x5d: {  	[tilespmem:v0+s16+$0x70 ss:$0x1] =	vst.idx.msk $0xffff, v1  }
0x5e: {  	[tilespmem:v0+s12+$0x30 ss:$0x1] =	vst.idx.msk $0xffff, v2;
	v1 =	vld.idx.msk [tilespmem:v0+s16+$0x80 ss:$0x1], $0xffff  }
0x5f: {  	s11 =	sadd.s32 $0x200, s12;
	v2 =	vld.idx.msk [tilespmem:v0+s12+$0x40 ss:$0x1], $0xffff  }
0x60: {  	v3 =	vld.idx.msk [tilespmem:v0+s11+$0x0 ss:$0x1], $0xffff;
	_ =	sdelay $0x2  }
0x61: {  	v1 =	vmul.f32 $8.000000000e+00, v1  }
0x62: {  	v2 =	vmul.f32 $8.000000000e+00, v2  }
0x63: {  	v3 =	vmul.f32 $8.000000000e+00, v3;
	[tilespmem:v0+s16+$0x80 ss:$0x1] =	vst.idx.msk $0xffff, v1  }
0x64: {  	[tilespmem:v0+s12+$0x40 ss:$0x1] =	vst.idx.msk $0xffff, v2;
	v1 =	vld.idx.msk [tilespmem:v0+s16+$0x90 ss:$0x1], $0xffff  }
0x65: {  	[tilespmem:v0+s11+$0x0 ss:$0x1] =	vst.idx.msk $0xffff, v3;
	v2 =	vld.idx.msk [tilespmem:v0+s12+$0x50 ss:$0x1], $0xffff  }
0x66: {  	v3 =	vld.idx.msk [tilespmem:v0+s11+$0x10 ss:$0x1], $0xffff;
	_ =	sdelay $0x2  }
0x67: {  	v1 =	vmul.f32 $8.000000000e+00, v1  }
0x68: {  	v2 =	vmul.f32 $8.000000000e+00, v2  }
0x69: {  	v3 =	vmul.f32 $8.000000000e+00, v3;
	[tilespmem:v0+s16+$0x90 ss:$0x1] =	vst.idx.msk $0xffff, v1  }
0x6a: {  	[tilespmem:v0+s12+$0x50 ss:$0x1] =	vst.idx.msk $0xffff, v2;
	v1 =	vld.idx.msk [tilespmem:v0+s16+$0xA0 ss:$0x1], $0xffff  }
0x6b: {  	[tilespmem:v0+s11+$0x10 ss:$0x1] =	vst.idx.msk $0xffff, v3;
	v2 =	vld.idx.msk [tilespmem:v0+s12+$0x60 ss:$0x1], $0xffff  }
0x6c: {  	v3 =	vld.idx.msk [tilespmem:v0+s11+$0x20 ss:$0x1], $0xffff;
	_ =	sdelay $0x2  }
0x6d: {  	v1 =	vmul.f32 $8.000000000e+00, v1  }
0x6e: {  	v2 =	vmul.f32 $8.000000000e+00, v2  }
0x6f: {  	v3 =	vmul.f32 $8.000000000e+00, v3;
	[tilespmem:v0+s16+$0xA0 ss:$0x1] =	vst.idx.msk $0xffff, v1  }
0x70: {  	[tilespmem:v0+s12+$0x60 ss:$0x1] =	vst.idx.msk $0xffff, v2;
	v1 =	vld.idx.msk [tilespmem:v0+s16+$0xB0 ss:$0x1], $0xffff  }
0x71: {  	[tilespmem:v0+s11+$0x20 ss:$0x1] =	vst.idx.msk $0xffff, v3;
	v2 =	vld.idx.msk [tilespmem:v0+s12+$0x70 ss:$0x1], $0xffff  }
0x72: {  	v3 =	vld.idx.msk [tilespmem:v0+s11+$0x30 ss:$0x1], $0xffff;
	_ =	sdelay $0x2  }
0x73: {  	v1 =	vmul.f32 $8.000000000e+00, v1  }
0x74: {  	v2 =	vmul.f32 $8.000000000e+00, v2  }
0x75: {  	v3 =	vmul.f32 $8.000000000e+00, v3;
	[tilespmem:v0+s16+$0xB0 ss:$0x1] =	vst.idx.msk $0xffff, v1  }
0x76: {  	[tilespmem:v0+s12+$0x70 ss:$0x1] =	vst.idx.msk $0xffff, v2;
	v1 =	vld.idx.msk [tilespmem:v0+s16+$0xC0 ss:$0x1], $0xffff  }
0x77: {  	[tilespmem:v0+s11+$0x30 ss:$0x1] =	vst.idx.msk $0xffff, v3;
	v2 =	vld.idx.msk [tilespmem:v0+s12+$0x80 ss:$0x1], $0xffff  }
0x78: {  	s0 =	sadd.s32 $0x200, s11;
	v3 =	vld.idx.msk [tilespmem:v0+s11+$0x40 ss:$0x1], $0xffff  }
0x79: {  	v4 =	vld.idx.msk [tilespmem:v0+s0+$0x0 ss:$0x1], $0xffff;
	_ =	sdelay $0x1  }
0x7a: {  	v1 =	vmul.f32 $8.000000000e+00, v1  }
0x7b: {  	v2 =	vmul.f32 $8.000000000e+00, v2  }
0x7c: {  	v3 =	vmul.f32 $8.000000000e+00, v3;
	[tilespmem:v0+s16+$0xC0 ss:$0x1] =	vst.idx.msk $0xffff, v1  }
0x7d: {  	v1 =	vmul.f32 $8.000000000e+00, v4;
	[tilespmem:v0+s12+$0x80 ss:$0x1] =	vst.idx.msk $0xffff, v2;
	v2 =	vld.idx.msk [tilespmem:v0+s16+$0xD0 ss:$0x1], $0xffff  }
0x7e: {  	[tilespmem:v0+s11+$0x40 ss:$0x1] =	vst.idx.msk $0xffff, v3;
	v3 =	vld.idx.msk [tilespmem:v0+s12+$0x90 ss:$0x1], $0xffff  }
0x7f: {  	[tilespmem:v0+s0+$0x0 ss:$0x1] =	vst.idx.msk $0xffff, v1;
	v1 =	vld.idx.msk [tilespmem:v0+s11+$0x50 ss:$0x1], $0xffff  }
0x80: {  	v4 =	vld.idx.msk [tilespmem:v0+s0+$0x10 ss:$0x1], $0xffff;
	_ =	sdelay $0x1  }
0x81: {  	v2 =	vmul.f32 $8.000000000e+00, v2  }
0x82: {  	v3 =	vmul.f32 $8.000000000e+00, v3  }
0x83: {  	v1 =	vmul.f32 $8.000000000e+00, v1;
	[tilespmem:v0+s16+$0xD0 ss:$0x1] =	vst.idx.msk $0xffff, v2  }
0x84: {  	v2 =	vmul.f32 $8.000000000e+00, v4;
	[tilespmem:v0+s12+$0x90 ss:$0x1] =	vst.idx.msk $0xffff, v3;
	v3 =	vld.idx.msk [tilespmem:v0+s16+$0xE0 ss:$0x1], $0xffff  }
0x85: {  	[tilespmem:v0+s11+$0x50 ss:$0x1] =	vst.idx.msk $0xffff, v1;
	v1 =	vld.idx.msk [tilespmem:v0+s12+$0xA0 ss:$0x1], $0xffff  }
0x86: {  	[tilespmem:v0+s0+$0x10 ss:$0x1] =	vst.idx.msk $0xffff, v2;
	v2 =	vld.idx.msk [tilespmem:v0+s11+$0x60 ss:$0x1], $0xffff  }
0x87: {  	v4 =	vld.idx.msk [tilespmem:v0+s0+$0x20 ss:$0x1], $0xffff;
	_ =	sdelay $0x1  }
0x88: {  	v3 =	vmul.f32 $8.000000000e+00, v3  }
0x89: {  	v1 =	vmul.f32 $8.000000000e+00, v1  }
0x8a: {  	v2 =	vmul.f32 $8.000000000e+00, v2;
	[tilespmem:v0+s16+$0xE0 ss:$0x1] =	vst.idx.msk $0xffff, v3  }
0x8b: {  	v3 =	vmul.f32 $8.000000000e+00, v4;
	[tilespmem:v0+s12+$0xA0 ss:$0x1] =	vst.idx.msk $0xffff, v1;
	v1 =	vld.idx.msk [tilespmem:v0+s16+$0xF0 ss:$0x1], $0xffff  }
0x8c: {  	[tilespmem:v0+s11+$0x60 ss:$0x1] =	vst.idx.msk $0xffff, v2;
	v2 =	vld.idx.msk [tilespmem:v0+s12+$0xB0 ss:$0x1], $0xffff  }
0x8d: {  	[tilespmem:v0+s0+$0x20 ss:$0x1] =	vst.idx.msk $0xffff, v3;
	v3 =	vld.idx.msk [tilespmem:v0+s11+$0x70 ss:$0x1], $0xffff  }
0x8e: {  	v4 =	vld.idx.msk [tilespmem:v0+s0+$0x30 ss:$0x1], $0xffff;
	_ =	sdelay $0x1  }
0x8f: {  	v1 =	vmul.f32 $8.000000000e+00, v1  }
0x90: {  	v2 =	vmul.f32 $8.000000000e+00, v2  }
0x91: {  	v3 =	vmul.f32 $8.000000000e+00, v3;
	[tilespmem:v0+s16+$0xF0 ss:$0x1] =	vst.idx.msk $0xffff, v1  }
0x92: {  	v1 =	vmul.f32 $8.000000000e+00, v4;
	[tilespmem:v0+s12+$0xB0 ss:$0x1] =	vst.idx.msk $0xffff, v2;
	v2 =	vld.idx.msk [tilespmem:v0+s16+$0x100 ss:$0x1], $0xffff  }
0x93: {  	[tilespmem:v0+s11+$0x70 ss:$0x1] =	vst.idx.msk $0xffff, v3;
	v3 =	vld.idx.msk [tilespmem:v0+s12+$0xC0 ss:$0x1], $0xffff  }
0x94: {  	[tilespmem:v0+s0+$0x30 ss:$0x1] =	vst.idx.msk $0xffff, v1;
	v1 =	vld.idx.msk [tilespmem:v0+s11+$0x80 ss:$0x1], $0xffff  }
0x95: {  	s1 =	sadd.s32 $0x200, s0;
	v4 =	vld.idx.msk [tilespmem:v0+s0+$0x40 ss:$0x1], $0xffff  }
0x96: {  	v5 =	vld.idx.msk [tilespmem:v0+s1+$0x0 ss:$0x1], $0xffff  }
0x97: {  	v2 =	vmul.f32 $8.000000000e+00, v2  }
0x98: {  	v3 =	vmul.f32 $8.000000000e+00, v3  }
0x99: {  	v1 =	vmul.f32 $8.000000000e+00, v1;
	[tilespmem:v0+s16+$0x100 ss:$0x1] =	vst.idx.msk $0xffff, v2  }
0x9a: {  	v2 =	vmul.f32 $8.000000000e+00, v4;
	[tilespmem:v0+s12+$0xC0 ss:$0x1] =	vst.idx.msk $0xffff, v3;
	v3 =	vld.idx.msk [tilespmem:v0+s16+$0x110 ss:$0x1], $0xffff  }
0x9b: {  	v4 =	vmul.f32 $8.000000000e+00, v5;
	[tilespmem:v0+s11+$0x80 ss:$0x1] =	vst.idx.msk $0xffff, v1;
	v1 =	vld.idx.msk [tilespmem:v0+s12+$0xD0 ss:$0x1], $0xffff  }
0x9c: {  	[tilespmem:v0+s0+$0x40 ss:$0x1] =	vst.idx.msk $0xffff, v2;
	v2 =	vld.idx.msk [tilespmem:v0+s11+$0x90 ss:$0x1], $0xffff  }
0x9d: {  	[tilespmem:v0+s1+$0x0 ss:$0x1] =	vst.idx.msk $0xffff, v4;
	v4 =	vld.idx.msk [tilespmem:v0+s0+$0x50 ss:$0x1], $0xffff  }
0x9e: {  	v5 =	vld.idx.msk [tilespmem:v0+s1+$0x10 ss:$0x1], $0xffff  }
0x9f: {  	v3 =	vmul.f32 $8.000000000e+00, v3  }
0xa0: {  	v1 =	vmul.f32 $8.000000000e+00, v1  }
0xa1: {  	v2 =	vmul.f32 $8.000000000e+00, v2;
	[tilespmem:v0+s16+$0x110 ss:$0x1] =	vst.idx.msk $0xffff, v3  }
0xa2: {  	v3 =	vmul.f32 $8.000000000e+00, v4;
	[tilespmem:v0+s12+$0xD0 ss:$0x1] =	vst.idx.msk $0xffff, v1;
	v1 =	vld.idx.msk [tilespmem:v0+s16+$0x120 ss:$0x1], $0xffff  }
0xa3: {  	v4 =	vmul.f32 $8.000000000e+00, v5;
	[tilespmem:v0+s11+$0x90 ss:$0x1] =	vst.idx.msk $0xffff, v2;
	v2 =	vld.idx.msk [tilespmem:v0+s12+$0xE0 ss:$0x1], $0xffff  }
0xa4: {  	[tilespmem:v0+s0+$0x50 ss:$0x1] =	vst.idx.msk $0xffff, v3;
	v3 =	vld.idx.msk [tilespmem:v0+s11+$0xA0 ss:$0x1], $0xffff  }
0xa5: {  	[tilespmem:v0+s1+$0x10 ss:$0x1] =	vst.idx.msk $0xffff, v4;
	v4 =	vld.idx.msk [tilespmem:v0+s0+$0x60 ss:$0x1], $0xffff  }
0xa6: {  	v5 =	vld.idx.msk [tilespmem:v0+s1+$0x20 ss:$0x1], $0xffff  }
0xa7: {  	v1 =	vmul.f32 $8.000000000e+00, v1  }
0xa8: {  	v2 =	vmul.f32 $8.000000000e+00, v2  }
0xa9: {  	v3 =	vmul.f32 $8.000000000e+00, v3;
	[tilespmem:v0+s16+$0x120 ss:$0x1] =	vst.idx.msk $0xffff, v1  }
0xaa: {  	v1 =	vmul.f32 $8.000000000e+00, v4;
	[tilespmem:v0+s12+$0xE0 ss:$0x1] =	vst.idx.msk $0xffff, v2;
	v2 =	vld.idx.msk [tilespmem:v0+s16+$0x130 ss:$0x1], $0xffff  }
0xab: {  	v4 =	vmul.f32 $8.000000000e+00, v5;
	[tilespmem:v0+s11+$0xA0 ss:$0x1] =	vst.idx.msk $0xffff, v3;
	v3 =	vld.idx.msk [tilespmem:v0+s12+$0xF0 ss:$0x1], $0xffff  }
0xac: {  	[tilespmem:v0+s0+$0x60 ss:$0x1] =	vst.idx.msk $0xffff, v1;
	v1 =	vld.idx.msk [tilespmem:v0+s11+$0xB0 ss:$0x1], $0xffff  }
0xad: {  	[tilespmem:v0+s1+$0x20 ss:$0x1] =	vst.idx.msk $0xffff, v4;
	v4 =	vld.idx.msk [tilespmem:v0+s0+$0x70 ss:$0x1], $0xffff  }
0xae: {  	v5 =	vld.idx.msk [tilespmem:v0+s1+$0x30 ss:$0x1], $0xffff  }
0xaf: {  	v2 =	vmul.f32 $8.000000000e+00, v2  }
0xb0: {  	v3 =	vmul.f32 $8.000000000e+00, v3  }
0xb1: {  	v1 =	vmul.f32 $8.000000000e+00, v1;
	[tilespmem:v0+s16+$0x130 ss:$0x1] =	vst.idx.msk $0xffff, v2  }
0xb2: {  	v2 =	vmul.f32 $8.000000000e+00, v4;
	[tilespmem:v0+s12+$0xF0 ss:$0x1] =	vst.idx.msk $0xffff, v3;
	v3 =	vld.idx.msk [tilespmem:v0+s16+$0x140 ss:$0x1], $0xffff  }
0xb3: {  	v4 =	vmul.f32 $8.000000000e+00, v5;
	[tilespmem:v0+s11+$0xB0 ss:$0x1] =	vst.idx.msk $0xffff, v1;
	v1 =	vld.idx.msk [tilespmem:v0+s12+$0x100 ss:$0x1], $0xffff  }
0xb4: {  	[tilespmem:v0+s0+$0x70 ss:$0x1] =	vst.idx.msk $0xffff, v2;
	v2 =	vld.idx.msk [tilespmem:v0+s11+$0xC0 ss:$0x1], $0xffff  }
0xb5: {  	[tilespmem:v0+s1+$0x30 ss:$0x1] =	vst.idx.msk $0xffff, v4;
	v4 =	vld.idx.msk [tilespmem:v0+s0+$0x80 ss:$0x1], $0xffff  }
0xb6: {  	s10 =	sadd.s32 $0x200, s1;
	v5 =	vld.idx.msk [tilespmem:v0+s1+$0x40 ss:$0x1], $0xffff  }
0xb7: {  	v6 =	vld.idx.msk [tilespmem:v0+s10+$0x0 ss:$0x1], $0xffff;
	v3 =	vmul.f32 $8.000000000e+00, v3  }
0xb8: {  	v1 =	vmul.f32 $8.000000000e+00, v1  }
0xb9: {  	v2 =	vmul.f32 $8.000000000e+00, v2;
	[tilespmem:v0+s16+$0x140 ss:$0x1] =	vst.idx.msk $0xffff, v3  }
0xba: {  	v3 =	vmul.f32 $8.000000000e+00, v4;
	[tilespmem:v0+s12+$0x100 ss:$0x1] =	vst.idx.msk $0xffff, v1;
	v1 =	vld.idx.msk [tilespmem:v0+s16+$0x150 ss:$0x1], $0xffff  }
0xbb: {  	v4 =	vmul.f32 $8.000000000e+00, v5;
	[tilespmem:v0+s11+$0xC0 ss:$0x1] =	vst.idx.msk $0xffff, v2;
	v2 =	vld.idx.msk [tilespmem:v0+s12+$0x110 ss:$0x1], $0xffff  }
0xbc: {  	v5 =	vmul.f32 $8.000000000e+00, v6;
	[tilespmem:v0+s0+$0x80 ss:$0x1] =	vst.idx.msk $0xffff, v3;
	v3 =	vld.idx.msk [tilespmem:v0+s11+$0xD0 ss:$0x1], $0xffff  }
0xbd: {  	[tilespmem:v0+s1+$0x40 ss:$0x1] =	vst.idx.msk $0xffff, v4;
	v4 =	vld.idx.msk [tilespmem:v0+s0+$0x90 ss:$0x1], $0xffff  }
0xbe: {  	[tilespmem:v0+s10+$0x0 ss:$0x1] =	vst.idx.msk $0xffff, v5;
	v5 =	vld.idx.msk [tilespmem:v0+s1+$0x50 ss:$0x1], $0xffff  }
0xbf: {  	v6 =	vld.idx.msk [tilespmem:v0+s10+$0x10 ss:$0x1], $0xffff;
	v1 =	vmul.f32 $8.000000000e+00, v1  }
0xc0: {  	v2 =	vmul.f32 $8.000000000e+00, v2  }
0xc1: {  	v3 =	vmul.f32 $8.000000000e+00, v3;
	[tilespmem:v0+s16+$0x150 ss:$0x1] =	vst.idx.msk $0xffff, v1  }
0xc2: {  	v1 =	vmul.f32 $8.000000000e+00, v4;
	[tilespmem:v0+s12+$0x110 ss:$0x1] =	vst.idx.msk $0xffff, v2;
	v2 =	vld.idx.msk [tilespmem:v0+s16+$0x160 ss:$0x1], $0xffff  }
0xc3: {  	v4 =	vmul.f32 $8.000000000e+00, v5;
	[tilespmem:v0+s11+$0xD0 ss:$0x1] =	vst.idx.msk $0xffff, v3;
	v3 =	vld.idx.msk [tilespmem:v0+s12+$0x120 ss:$0x1], $0xffff  }
0xc4: {  	v5 =	vmul.f32 $8.000000000e+00, v6;
	[tilespmem:v0+s0+$0x90 ss:$0x1] =	vst.idx.msk $0xffff, v1;
	v1 =	vld.idx.msk [tilespmem:v0+s11+$0xE0 ss:$0x1], $0xffff  }
0xc5: {  	[tilespmem:v0+s1+$0x50 ss:$0x1] =	vst.idx.msk $0xffff, v4;
	v4 =	vld.idx.msk [tilespmem:v0+s0+$0xA0 ss:$0x1], $0xffff  }
0xc6: {  	[tilespmem:v0+s10+$0x10 ss:$0x1] =	vst.idx.msk $0xffff, v5;
	v5 =	vld.idx.msk [tilespmem:v0+s1+$0x60 ss:$0x1], $0xffff  }
0xc7: {  	v6 =	vld.idx.msk [tilespmem:v0+s10+$0x20 ss:$0x1], $0xffff;
	v2 =	vmul.f32 $8.000000000e+00, v2  }
0xc8: {  	v3 =	vmul.f32 $8.000000000e+00, v3  }
0xc9: {  	v1 =	vmul.f32 $8.000000000e+00, v1;
	[tilespmem:v0+s16+$0x160 ss:$0x1] =	vst.idx.msk $0xffff, v2  }
0xca: {  	v2 =	vmul.f32 $8.000000000e+00, v4;
	[tilespmem:v0+s12+$0x120 ss:$0x1] =	vst.idx.msk $0xffff, v3;
	v3 =	vld.idx.msk [tilespmem:v0+s16+$0x170 ss:$0x1], $0xffff  }
0xcb: {  	v4 =	vmul.f32 $8.000000000e+00, v5;
	[tilespmem:v0+s11+$0xE0 ss:$0x1] =	vst.idx.msk $0xffff, v1;
	v1 =	vld.idx.msk [tilespmem:v0+s12+$0x130 ss:$0x1], $0xffff  }
0xcc: {  	v5 =	vmul.f32 $8.000000000e+00, v6;
	[tilespmem:v0+s0+$0xA0 ss:$0x1] =	vst.idx.msk $0xffff, v2;
	v2 =	vld.idx.msk [tilespmem:v0+s11+$0xF0 ss:$0x1], $0xffff  }
0xcd: {  	[tilespmem:v0+s1+$0x60 ss:$0x1] =	vst.idx.msk $0xffff, v4;
	v4 =	vld.idx.msk [tilespmem:v0+s0+$0xB0 ss:$0x1], $0xffff  }
0xce: {  	[tilespmem:v0+s10+$0x20 ss:$0x1] =	vst.idx.msk $0xffff, v5;
	v5 =	vld.idx.msk [tilespmem:v0+s1+$0x70 ss:$0x1], $0xffff  }
0xcf: {  	v6 =	vld.idx.msk [tilespmem:v0+s10+$0x30 ss:$0x1], $0xffff;
	v3 =	vmul.f32 $8.000000000e+00, v3  }
0xd0: {  	v1 =	vmul.f32 $8.000000000e+00, v1  }
0xd1: {  	v2 =	vmul.f32 $8.000000000e+00, v2;
	[tilespmem:v0+s16+$0x170 ss:$0x1] =	vst.idx.msk $0xffff, v3  }
0xd2: {  	v3 =	vmul.f32 $8.000000000e+00, v4;
	[tilespmem:v0+s12+$0x130 ss:$0x1] =	vst.idx.msk $0xffff, v1;
	v1 =	vld.idx.msk [tilespmem:v0+s16+$0x180 ss:$0x1], $0xffff  }
0xd3: {  	v4 =	vmul.f32 $8.000000000e+00, v5;
	[tilespmem:v0+s11+$0xF0 ss:$0x1] =	vst.idx.msk $0xffff, v2;
	v2 =	vld.idx.msk [tilespmem:v0+s12+$0x140 ss:$0x1], $0xffff  }
0xd4: {  	v5 =	vmul.f32 $8.000000000e+00, v6;
	[tilespmem:v0+s0+$0xB0 ss:$0x1] =	vst.idx.msk $0xffff, v3;
	v3 =	vld.idx.msk [tilespmem:v0+s11+$0x100 ss:$0x1], $0xffff  }
0xd5: {  	[tilespmem:v0+s1+$0x70 ss:$0x1] =	vst.idx.msk $0xffff, v4;
	v4 =	vld.idx.msk [tilespmem:v0+s0+$0xC0 ss:$0x1], $0xffff  }
0xd6: {  	[tilespmem:v0+s10+$0x30 ss:$0x1] =	vst.idx.msk $0xffff, v5;
	v5 =	vld.idx.msk [tilespmem:v0+s1+$0x80 ss:$0x1], $0xffff  }
0xd7: {  	s13 =	sadd.s32 $0x200, s10;
	v6 =	vld.idx.msk [tilespmem:v0+s10+$0x40 ss:$0x1], $0xffff;
	v1 =	vmul.f32 $8.000000000e+00, v1  }
0xd8: {  	v7 =	vld.idx.msk [tilespmem:v0+s13+$0x0 ss:$0x1], $0xffff;
	v2 =	vmul.f32 $8.000000000e+00, v2  }
0xd9: {  	v3 =	vmul.f32 $8.000000000e+00, v3;
	[tilespmem:v0+s16+$0x180 ss:$0x1] =	vst.idx.msk $0xffff, v1  }
0xda: {  	v1 =	vmul.f32 $8.000000000e+00, v4;
	[tilespmem:v0+s12+$0x140 ss:$0x1] =	vst.idx.msk $0xffff, v2;
	v2 =	vld.idx.msk [tilespmem:v0+s16+$0x190 ss:$0x1], $0xffff  }
0xdb: {  	v4 =	vmul.f32 $8.000000000e+00, v5;
	[tilespmem:v0+s11+$0x100 ss:$0x1] =	vst.idx.msk $0xffff, v3;
	v3 =	vld.idx.msk [tilespmem:v0+s12+$0x150 ss:$0x1], $0xffff  }
0xdc: {  	v5 =	vmul.f32 $8.000000000e+00, v6;
	[tilespmem:v0+s0+$0xC0 ss:$0x1] =	vst.idx.msk $0xffff, v1;
	v1 =	vld.idx.msk [tilespmem:v0+s11+$0x110 ss:$0x1], $0xffff  }
0xdd: {  	v6 =	vmul.f32 $8.000000000e+00, v7;
	[tilespmem:v0+s1+$0x80 ss:$0x1] =	vst.idx.msk $0xffff, v4;
	v4 =	vld.idx.msk [tilespmem:v0+s0+$0xD0 ss:$0x1], $0xffff  }
0xde: {  	[tilespmem:v0+s10+$0x40 ss:$0x1] =	vst.idx.msk $0xffff, v5;
	v5 =	vld.idx.msk [tilespmem:v0+s1+$0x90 ss:$0x1], $0xffff  }
0xdf: {  	[tilespmem:v0+s13+$0x0 ss:$0x1] =	vst.idx.msk $0xffff, v6;
	v6 =	vld.idx.msk [tilespmem:v0+s10+$0x50 ss:$0x1], $0xffff;
	v2 =	vmul.f32 $8.000000000e+00, v2  }
0xe0: {  	v7 =	vld.idx.msk [tilespmem:v0+s13+$0x10 ss:$0x1], $0xffff;
	v3 =	vmul.f32 $8.000000000e+00, v3  }
0xe1: {  	v1 =	vmul.f32 $8.000000000e+00, v1;
	[tilespmem:v0+s16+$0x190 ss:$0x1] =	vst.idx.msk $0xffff, v2  }
0xe2: {  	v2 =	vmul.f32 $8.000000000e+00, v4;
	[tilespmem:v0+s12+$0x150 ss:$0x1] =	vst.idx.msk $0xffff, v3;
	v3 =	vld.idx.msk [tilespmem:v0+s16+$0x1A0 ss:$0x1], $0xffff  }
0xe3: {  	v4 =	vmul.f32 $8.000000000e+00, v5;
	[tilespmem:v0+s11+$0x110 ss:$0x1] =	vst.idx.msk $0xffff, v1;
	v1 =	vld.idx.msk [tilespmem:v0+s12+$0x160 ss:$0x1], $0xffff  }
0xe4: {  	v5 =	vmul.f32 $8.000000000e+00, v6;
	[tilespmem:v0+s0+$0xD0 ss:$0x1] =	vst.idx.msk $0xffff, v2;
	v2 =	vld.idx.msk [tilespmem:v0+s11+$0x120 ss:$0x1], $0xffff  }
0xe5: {  	v6 =	vmul.f32 $8.000000000e+00, v7;
	[tilespmem:v0+s1+$0x90 ss:$0x1] =	vst.idx.msk $0xffff, v4;
	v4 =	vld.idx.msk [tilespmem:v0+s0+$0xE0 ss:$0x1], $0xffff  }
0xe6: {  	[tilespmem:v0+s10+$0x50 ss:$0x1] =	vst.idx.msk $0xffff, v5;
	v5 =	vld.idx.msk [tilespmem:v0+s1+$0xA0 ss:$0x1], $0xffff  }
0xe7: {  	[tilespmem:v0+s13+$0x10 ss:$0x1] =	vst.idx.msk $0xffff, v6;
	v6 =	vld.idx.msk [tilespmem:v0+s10+$0x60 ss:$0x1], $0xffff;
	v3 =	vmul.f32 $8.000000000e+00, v3  }
0xe8: {  	v7 =	vld.idx.msk [tilespmem:v0+s13+$0x20 ss:$0x1], $0xffff;
	v1 =	vmul.f32 $8.000000000e+00, v1  }
0xe9: {  	v2 =	vmul.f32 $8.000000000e+00, v2;
	[tilespmem:v0+s16+$0x1A0 ss:$0x1] =	vst.idx.msk $0xffff, v3  }
0xea: {  	v3 =	vmul.f32 $8.000000000e+00, v4;
	[tilespmem:v0+s12+$0x160 ss:$0x1] =	vst.idx.msk $0xffff, v1;
	v1 =	vld.idx.msk [tilespmem:v0+s16+$0x1B0 ss:$0x1], $0xffff  }
0xeb: {  	v4 =	vmul.f32 $8.000000000e+00, v5;
	[tilespmem:v0+s11+$0x120 ss:$0x1] =	vst.idx.msk $0xffff, v2;
	v2 =	vld.idx.msk [tilespmem:v0+s12+$0x170 ss:$0x1], $0xffff  }
0xec: {  	v5 =	vmul.f32 $8.000000000e+00, v6;
	[tilespmem:v0+s0+$0xE0 ss:$0x1] =	vst.idx.msk $0xffff, v3;
	v3 =	vld.idx.msk [tilespmem:v0+s11+$0x130 ss:$0x1], $0xffff  }
0xed: {  	v6 =	vmul.f32 $8.000000000e+00, v7;
	[tilespmem:v0+s1+$0xA0 ss:$0x1] =	vst.idx.msk $0xffff, v4;
	v4 =	vld.idx.msk [tilespmem:v0+s0+$0xF0 ss:$0x1], $0xffff  }
0xee: {  	[tilespmem:v0+s10+$0x60 ss:$0x1] =	vst.idx.msk $0xffff, v5;
	v5 =	vld.idx.msk [tilespmem:v0+s1+$0xB0 ss:$0x1], $0xffff  }
0xef: {  	[tilespmem:v0+s13+$0x20 ss:$0x1] =	vst.idx.msk $0xffff, v6;
	v6 =	vld.idx.msk [tilespmem:v0+s10+$0x70 ss:$0x1], $0xffff;
	v1 =	vmul.f32 $8.000000000e+00, v1  }
0xf0: {  	v7 =	vld.idx.msk [tilespmem:v0+s13+$0x30 ss:$0x1], $0xffff;
	v2 =	vmul.f32 $8.000000000e+00, v2  }
0xf1: {  	v3 =	vmul.f32 $8.000000000e+00, v3;
	[tilespmem:v0+s16+$0x1B0 ss:$0x1] =	vst.idx.msk $0xffff, v1  }
0xf2: {  	v1 =	vmul.f32 $8.000000000e+00, v4;
	[tilespmem:v0+s12+$0x170 ss:$0x1] =	vst.idx.msk $0xffff, v2;
	v2 =	vld.idx.msk [tilespmem:v0+s16+$0x1C0 ss:$0x1], $0xffff  }
0xf3: {  	v4 =	vmul.f32 $8.000000000e+00, v5;
	[tilespmem:v0+s11+$0x130 ss:$0x1] =	vst.idx.msk $0xffff, v3;
	v3 =	vld.idx.msk [tilespmem:v0+s12+$0x180 ss:$0x1], $0xffff  }
0xf4: {  	v5 =	vmul.f32 $8.000000000e+00, v6;
	[tilespmem:v0+s0+$0xF0 ss:$0x1] =	vst.idx.msk $0xffff, v1;
	v1 =	vld.idx.msk [tilespmem:v0+s11+$0x140 ss:$0x1], $0xffff  }
0xf5: {  	v6 =	vmul.f32 $8.000000000e+00, v7;
	[tilespmem:v0+s1+$0xB0 ss:$0x1] =	vst.idx.msk $0xffff, v4;
	v4 =	vld.idx.msk [tilespmem:v0+s0+$0x100 ss:$0x1], $0xffff  }
0xf6: {  	[tilespmem:v0+s10+$0x70 ss:$0x1] =	vst.idx.msk $0xffff, v5;
	v5 =	vld.idx.msk [tilespmem:v0+s1+$0xC0 ss:$0x1], $0xffff  }
0xf7: {  	[tilespmem:v0+s13+$0x30 ss:$0x1] =	vst.idx.msk $0xffff, v6;
	v6 =	vld.idx.msk [tilespmem:v0+s10+$0x80 ss:$0x1], $0xffff;
	v2 =	vmul.f32 $8.000000000e+00, v2  }
0xf8: {  	s14 =	sadd.s32 $0x200, s13;
	v7 =	vld.idx.msk [tilespmem:v0+s13+$0x40 ss:$0x1], $0xffff;
	v3 =	vmul.f32 $8.000000000e+00, v3  }
0xf9: {  	v8 =	vld.idx.msk [tilespmem:v0+s14+$0x0 ss:$0x1], $0xffff;
	v1 =	vmul.f32 $8.000000000e+00, v1;
	[tilespmem:v0+s16+$0x1C0 ss:$0x1] =	vst.idx.msk $0xffff, v2  }
0xfa: {  	v2 =	vmul.f32 $8.000000000e+00, v4;
	[tilespmem:v0+s12+$0x180 ss:$0x1] =	vst.idx.msk $0xffff, v3;
	v3 =	vld.idx.msk [tilespmem:v0+s16+$0x1D0 ss:$0x1], $0xffff  }
0xfb: {  	v4 =	vmul.f32 $8.000000000e+00, v5;
	[tilespmem:v0+s11+$0x140 ss:$0x1] =	vst.idx.msk $0xffff, v1;
	v1 =	vld.idx.msk [tilespmem:v0+s12+$0x190 ss:$0x1], $0xffff  }
0xfc: {  	v5 =	vmul.f32 $8.000000000e+00, v6;
	[tilespmem:v0+s0+$0x100 ss:$0x1] =	vst.idx.msk $0xffff, v2;
	v2 =	vld.idx.msk [tilespmem:v0+s11+$0x150 ss:$0x1], $0xffff  }
0xfd: {  	v6 =	vmul.f32 $8.000000000e+00, v7;
	[tilespmem:v0+s1+$0xC0 ss:$0x1] =	vst.idx.msk $0xffff, v4;
	v4 =	vld.idx.msk [tilespmem:v0+s0+$0x110 ss:$0x1], $0xffff  }
0xfe: {  	v7 =	vmul.f32 $8.000000000e+00, v8;
	[tilespmem:v0+s10+$0x80 ss:$0x1] =	vst.idx.msk $0xffff, v5;
	v5 =	vld.idx.msk [tilespmem:v0+s1+$0xD0 ss:$0x1], $0xffff  }
0xff: {  	[tilespmem:v0+s13+$0x40 ss:$0x1] =	vst.idx.msk $0xffff, v6;
	v6 =	vld.idx.msk [tilespmem:v0+s10+$0x90 ss:$0x1], $0xffff;
	v3 =	vmul.f32 $8.000000000e+00, v3  }
0x100: {  	[tilespmem:v0+s14+$0x0 ss:$0x1] =	vst.idx.msk $0xffff, v7;
	v7 =	vld.idx.msk [tilespmem:v0+s13+$0x50 ss:$0x1], $0xffff;
	v1 =	vmul.f32 $8.000000000e+00, v1  }
0x101: {  	v8 =	vld.idx.msk [tilespmem:v0+s14+$0x10 ss:$0x1], $0xffff;
	v2 =	vmul.f32 $8.000000000e+00, v2;
	[tilespmem:v0+s16+$0x1D0 ss:$0x1] =	vst.idx.msk $0xffff, v3  }
0x102: {  	v3 =	vmul.f32 $8.000000000e+00, v4;
	[tilespmem:v0+s12+$0x190 ss:$0x1] =	vst.idx.msk $0xffff, v1;
	v1 =	vld.idx.msk [tilespmem:v0+s16+$0x1E0 ss:$0x1], $0xffff  }
0x103: {  	v4 =	vmul.f32 $8.000000000e+00, v5;
	[tilespmem:v0+s11+$0x150 ss:$0x1] =	vst.idx.msk $0xffff, v2;
	v2 =	vld.idx.msk [tilespmem:v0+s12+$0x1A0 ss:$0x1], $0xffff  }
0x104: {  	v5 =	vmul.f32 $8.000000000e+00, v6;
	[tilespmem:v0+s0+$0x110 ss:$0x1] =	vst.idx.msk $0xffff, v3;
	v3 =	vld.idx.msk [tilespmem:v0+s11+$0x160 ss:$0x1], $0xffff  }
0x105: {  	v6 =	vmul.f32 $8.000000000e+00, v7;
	[tilespmem:v0+s1+$0xD0 ss:$0x1] =	vst.idx.msk $0xffff, v4;
	v4 =	vld.idx.msk [tilespmem:v0+s0+$0x120 ss:$0x1], $0xffff  }
0x106: {  	v7 =	vmul.f32 $8.000000000e+00, v8;
	[tilespmem:v0+s10+$0x90 ss:$0x1] =	vst.idx.msk $0xffff, v5;
	v5 =	vld.idx.msk [tilespmem:v0+s1+$0xE0 ss:$0x1], $0xffff  }
0x107: {  	[tilespmem:v0+s13+$0x50 ss:$0x1] =	vst.idx.msk $0xffff, v6;
	v6 =	vld.idx.msk [tilespmem:v0+s10+$0xA0 ss:$0x1], $0xffff;
	v1 =	vmul.f32 $8.000000000e+00, v1  }
0x108: {  	[tilespmem:v0+s14+$0x10 ss:$0x1] =	vst.idx.msk $0xffff, v7;
	v7 =	vld.idx.msk [tilespmem:v0+s13+$0x60 ss:$0x1], $0xffff;
	v2 =	vmul.f32 $8.000000000e+00, v2  }
0x109: {  	v8 =	vld.idx.msk [tilespmem:v0+s14+$0x20 ss:$0x1], $0xffff;
	v3 =	vmul.f32 $8.000000000e+00, v3;
	[tilespmem:v0+s16+$0x1E0 ss:$0x1] =	vst.idx.msk $0xffff, v1  }
0x10a: {  	v1 =	vmul.f32 $8.000000000e+00, v4;
	[tilespmem:v0+s12+$0x1A0 ss:$0x1] =	vst.idx.msk $0xffff, v2;
	v9 =	vld.idx.msk [tilespmem:v0+s16+$0x1F0 ss:$0x1], $0xffff  }
0x10b: {  	v2 =	vmul.f32 $8.000000000e+00, v5;
	[tilespmem:v0+s11+$0x160 ss:$0x1] =	vst.idx.msk $0xffff, v3;
	v10 =	vld.idx.msk [tilespmem:v0+s12+$0x1B0 ss:$0x1], $0xffff  }
0x10c: {  	v3 =	vmul.f32 $8.000000000e+00, v6;
	[tilespmem:v0+s0+$0x120 ss:$0x1] =	vst.idx.msk $0xffff, v1;
	v6 =	vld.idx.msk [tilespmem:v0+s11+$0x170 ss:$0x1], $0xffff  }
0x10d: {  	v1 =	vmul.f32 $8.000000000e+00, v7;
	[tilespmem:v0+s1+$0xE0 ss:$0x1] =	vst.idx.msk $0xffff, v2;
	v4 =	vld.idx.msk [tilespmem:v0+s0+$0x130 ss:$0x1], $0xffff  }
0x10e: {  	v2 =	vmul.f32 $8.000000000e+00, v8;
	[tilespmem:v0+s10+$0xA0 ss:$0x1] =	vst.idx.msk $0xffff, v3;
	v5 =	vld.idx.msk [tilespmem:v0+s1+$0xF0 ss:$0x1], $0xffff  }
0x10f: {  	[tilespmem:v0+s13+$0x60 ss:$0x1] =	vst.idx.msk $0xffff, v1;
	v3 =	vld.idx.msk [tilespmem:v0+s10+$0xB0 ss:$0x1], $0xffff  }
0x110: {  	[tilespmem:v0+s14+$0x20 ss:$0x1] =	vst.idx.msk $0xffff, v2;
	v2 =	vld.idx.msk [tilespmem:v0+s13+$0x70 ss:$0x1], $0xffff;
	v8 =	vmul.f32 $8.000000000e+00, v9  }
0x111: {  	s29 =	smov.u32 s16;
	s15 =	simm.s32 $0x38;
	v1 =	vld.idx.msk [tilespmem:v0+s14+$0x30 ss:$0x1], $0xffff;
	v7 =	vmul.f32 $8.000000000e+00, v10  }
.LBB2_3:
0x112: {  	s15 =	sadd.s32 $0x8, s15;
	v6 =	vmul.f32 $8.000000000e+00, v6;
	[tilespmem:v0+s29+$0x1F0 ss:$0x1] =	vst.idx.msk $0xffff, v8;
	s29 =	smov.u32 s12;
	s12 =	smov.u32 s11  }
0x113: {  	v4 =	vmul.f32 $8.000000000e+00, v4;
	s11 =	smov.u32 s0;
	s0 =	smov.u32 s1;
	p0 =	slt.u32 s15, $0x1F8;
	[tilespmem:v0+s29+$0x1B0 ss:$0x1] =	vst.idx.msk $0xffff, v7  }
0x114: {  	s1 =	smov.u32 s10;
	s10 =	smov.u32 s13;
	s13 =	smov.u32 s14;
	v5 =	vmul.f32 $8.000000000e+00, v5;
	[tilespmem:v0+s12+$0x170 ss:$0x1] =	vst.idx.msk $0xffff, v6;
	v6 =	vld.idx.msk [tilespmem:v0+s29+$0x1C0 ss:$0x1], $0xffff  }
0x115: {  	v3 =	vmul.f32 $8.000000000e+00, v3;
	[tilespmem:v0+s11+$0x130 ss:$0x1] =	vst.idx.msk $0xffff, v4;
	v4 =	vld.idx.msk [tilespmem:v0+s12+$0x180 ss:$0x1], $0xffff  }
0x116: {  	v2 =	vmul.f32 $8.000000000e+00, v2;
	[tilespmem:v0+s0+$0xF0 ss:$0x1] =	vst.idx.msk $0xffff, v5;
	v5 =	vld.idx.msk [tilespmem:v0+s11+$0x140 ss:$0x1], $0xffff  }
0x117: {  	v1 =	vmul.f32 $8.000000000e+00, v1;
	[tilespmem:v0+s1+$0xB0 ss:$0x1] =	vst.idx.msk $0xffff, v3;
	v3 =	vld.idx.msk [tilespmem:v0+s0+$0x100 ss:$0x1], $0xffff  }
0x118: {  	[tilespmem:v0+s10+$0x70 ss:$0x1] =	vst.idx.msk $0xffff, v2;
	v2 =	vld.idx.msk [tilespmem:v0+s1+$0xC0 ss:$0x1], $0xffff  }
0x119: {  	[tilespmem:v0+s14+$0x30 ss:$0x1] =	vst.idx.msk $0xffff, v1;
	v1 =	vld.idx.msk [tilespmem:v0+s10+$0x80 ss:$0x1], $0xffff  }
0x11a: {  	s14 =	sadd.s32 $0x200, s14;
	v6 =	vmul.f32 $8.000000000e+00, v6;
	v7 =	vld.idx.msk [tilespmem:v0+s13+$0x40 ss:$0x1], $0xffff  }
0x11b: {  	v4 =	vmul.f32 $8.000000000e+00, v4;
	v8 =	vld.idx.msk [tilespmem:v0+s14+$0x0 ss:$0x1], $0xffff  }
0x11c: {  	v5 =	vmul.f32 $8.000000000e+00, v5;
	[tilespmem:v0+s29+$0x1C0 ss:$0x1] =	vst.idx.msk $0xffff, v6  }
0x11d: {  	v3 =	vmul.f32 $8.000000000e+00, v3;
	[tilespmem:v0+s12+$0x180 ss:$0x1] =	vst.idx.msk $0xffff, v4;
	v4 =	vld.idx.msk [tilespmem:v0+s29+$0x1D0 ss:$0x1], $0xffff  }
0x11e: {  	v2 =	vmul.f32 $8.000000000e+00, v2;
	[tilespmem:v0+s11+$0x140 ss:$0x1] =	vst.idx.msk $0xffff, v5;
	v5 =	vld.idx.msk [tilespmem:v0+s12+$0x190 ss:$0x1], $0xffff  }
0x11f: {  	v1 =	vmul.f32 $8.000000000e+00, v1;
	[tilespmem:v0+s0+$0x100 ss:$0x1] =	vst.idx.msk $0xffff, v3;
	v3 =	vld.idx.msk [tilespmem:v0+s11+$0x150 ss:$0x1], $0xffff  }
0x120: {  	v6 =	vmul.f32 $8.000000000e+00, v7;
	[tilespmem:v0+s1+$0xC0 ss:$0x1] =	vst.idx.msk $0xffff, v2;
	v2 =	vld.idx.msk [tilespmem:v0+s0+$0x110 ss:$0x1], $0xffff  }
0x121: {  	v7 =	vmul.f32 $8.000000000e+00, v8;
	[tilespmem:v0+s10+$0x80 ss:$0x1] =	vst.idx.msk $0xffff, v1;
	v1 =	vld.idx.msk [tilespmem:v0+s1+$0xD0 ss:$0x1], $0xffff  }
0x122: {  	[tilespmem:v0+s13+$0x40 ss:$0x1] =	vst.idx.msk $0xffff, v6;
	v6 =	vld.idx.msk [tilespmem:v0+s10+$0x90 ss:$0x1], $0xffff  }
0x123: {  	v4 =	vmul.f32 $8.000000000e+00, v4;
	[tilespmem:v0+s14+$0x0 ss:$0x1] =	vst.idx.msk $0xffff, v7;
	v7 =	vld.idx.msk [tilespmem:v0+s13+$0x50 ss:$0x1], $0xffff  }
0x124: {  	v5 =	vmul.f32 $8.000000000e+00, v5;
	v8 =	vld.idx.msk [tilespmem:v0+s14+$0x10 ss:$0x1], $0xffff  }
0x125: {  	v3 =	vmul.f32 $8.000000000e+00, v3;
	[tilespmem:v0+s29+$0x1D0 ss:$0x1] =	vst.idx.msk $0xffff, v4  }
0x126: {  	v2 =	vmul.f32 $8.000000000e+00, v2;
	[tilespmem:v0+s12+$0x190 ss:$0x1] =	vst.idx.msk $0xffff, v5;
	v4 =	vld.idx.msk [tilespmem:v0+s29+$0x1E0 ss:$0x1], $0xffff  }
0x127: {  	v1 =	vmul.f32 $8.000000000e+00, v1;
	[tilespmem:v0+s11+$0x150 ss:$0x1] =	vst.idx.msk $0xffff, v3;
	v3 =	vld.idx.msk [tilespmem:v0+s12+$0x1A0 ss:$0x1], $0xffff  }
0x128: {  	v5 =	vmul.f32 $8.000000000e+00, v6;
	[tilespmem:v0+s0+$0x110 ss:$0x1] =	vst.idx.msk $0xffff, v2;
	v2 =	vld.idx.msk [tilespmem:v0+s11+$0x160 ss:$0x1], $0xffff  }
0x129: {  	v6 =	vmul.f32 $8.000000000e+00, v7;
	[tilespmem:v0+s1+$0xD0 ss:$0x1] =	vst.idx.msk $0xffff, v1;
	v1 =	vld.idx.msk [tilespmem:v0+s0+$0x120 ss:$0x1], $0xffff  }
0x12a: {  	v7 =	vmul.f32 $8.000000000e+00, v8;
	[tilespmem:v0+s10+$0x90 ss:$0x1] =	vst.idx.msk $0xffff, v5;
	v5 =	vld.idx.msk [tilespmem:v0+s1+$0xE0 ss:$0x1], $0xffff  }
0x12b: {  	[tilespmem:v0+s13+$0x50 ss:$0x1] =	vst.idx.msk $0xffff, v6;
	v6 =	vld.idx.msk [tilespmem:v0+s10+$0xA0 ss:$0x1], $0xffff  }
0x12c: {  	v4 =	vmul.f32 $8.000000000e+00, v4;
	[tilespmem:v0+s14+$0x10 ss:$0x1] =	vst.idx.msk $0xffff, v7;
	v7 =	vld.idx.msk [tilespmem:v0+s13+$0x60 ss:$0x1], $0xffff  }
0x12d: {  	v3 =	vmul.f32 $8.000000000e+00, v3;
	v8 =	vld.idx.msk [tilespmem:v0+s14+$0x20 ss:$0x1], $0xffff  }
0x12e: {  	v2 =	vmul.f32 $8.000000000e+00, v2;
	[tilespmem:v0+s29+$0x1E0 ss:$0x1] =	vst.idx.msk $0xffff, v4  }
0x12f: {  	v1 =	vmul.f32 $8.000000000e+00, v1;
	[tilespmem:v0+s12+$0x1A0 ss:$0x1] =	vst.idx.msk $0xffff, v3;
	v9 =	vld.idx.msk [tilespmem:v0+s29+$0x1F0 ss:$0x1], $0xffff  }
0x130: {  	v3 =	vmul.f32 $8.000000000e+00, v5;
	[tilespmem:v0+s11+$0x160 ss:$0x1] =	vst.idx.msk $0xffff, v2;
	v10 =	vld.idx.msk [tilespmem:v0+s12+$0x1B0 ss:$0x1], $0xffff  }
0x131: {  	v2 =	vmul.f32 $8.000000000e+00, v6;
	[tilespmem:v0+s0+$0x120 ss:$0x1] =	vst.idx.msk $0xffff, v1;
	v6 =	vld.idx.msk [tilespmem:v0+s11+$0x170 ss:$0x1], $0xffff  }
.Ltmp0:
0x132: {  	v1 =	vmul.f32 $8.000000000e+00, v7;
	[tilespmem:v0+s1+$0xE0 ss:$0x1] =	vst.idx.msk $0xffff, v3;
	v4 =	vld.idx.msk [tilespmem:v0+s0+$0x130 ss:$0x1], $0xffff;
	(pc) =	sbr.rel @p0 .LBB2_3-.Ltmp0, $4  }
0x133: {  	v7 =	vmul.f32 $8.000000000e+00, v8;
	[tilespmem:v0+s10+$0xA0 ss:$0x1] =	vst.idx.msk $0xffff, v2;
	v5 =	vld.idx.msk [tilespmem:v0+s1+$0xF0 ss:$0x1], $0xffff  }
0x134: {  	[tilespmem:v0+s13+$0x60 ss:$0x1] =	vst.idx.msk $0xffff, v1;
	v3 =	vld.idx.msk [tilespmem:v0+s10+$0xB0 ss:$0x1], $0xffff  }
0x135: {  	v8 =	vmul.f32 $8.000000000e+00, v9;
	[tilespmem:v0+s14+$0x20 ss:$0x1] =	vst.idx.msk $0xffff, v7;
	v2 =	vld.idx.msk [tilespmem:v0+s13+$0x70 ss:$0x1], $0xffff  }
0x136: {  	v7 =	vmul.f32 $8.000000000e+00, v10;
	v1 =	vld.idx.msk [tilespmem:v0+s14+$0x30 ss:$0x1], $0xffff  }
0x137: {  	_ =	sdelay $0x3  }
0x138: {  	v6 =	vmul.f32 $8.000000000e+00, v6;
	[tilespmem:v0+s29+$0x1F0 ss:$0x1] =	vst.idx.msk $0xffff, v8  }
0x139: {  	v4 =	vmul.f32 $8.000000000e+00, v4;
	[tilespmem:v0+s12+$0x1B0 ss:$0x1] =	vst.idx.msk $0xffff, v7  }
0x13a: {  	v5 =	vmul.f32 $8.000000000e+00, v5;
	[tilespmem:v0+s11+$0x170 ss:$0x1] =	vst.idx.msk $0xffff, v6;
	v52 =	vld.idx.msk [tilespmem:v0+s12+$0x1C0 ss:$0x1], $0xffff  }
0x13b: {  	v3 =	vmul.f32 $8.000000000e+00, v3;
	[tilespmem:v0+s0+$0x130 ss:$0x1] =	vst.idx.msk $0xffff, v4;
	v53 =	vld.idx.msk [tilespmem:v0+s11+$0x180 ss:$0x1], $0xffff  }
0x13c: {  	v2 =	vmul.f32 $8.000000000e+00, v2;
	[tilespmem:v0+s1+$0xF0 ss:$0x1] =	vst.idx.msk $0xffff, v5;
	v54 =	vld.idx.msk [tilespmem:v0+s0+$0x140 ss:$0x1], $0xffff  }
0x13d: {  	v1 =	vmul.f32 $8.000000000e+00, v1;
	[tilespmem:v0+s10+$0xB0 ss:$0x1] =	vst.idx.msk $0xffff, v3;
	v55 =	vld.idx.msk [tilespmem:v0+s1+$0x100 ss:$0x1], $0xffff  }
0x13e: {  	[tilespmem:v0+s13+$0x70 ss:$0x1] =	vst.idx.msk $0xffff, v2;
	v56 =	vld.idx.msk [tilespmem:v0+s10+$0xC0 ss:$0x1], $0xffff  }
0x13f: {  	[tilespmem:v0+s14+$0x30 ss:$0x1] =	vst.idx.msk $0xffff, v1;
	v57 =	vld.idx.msk [tilespmem:v0+s13+$0x80 ss:$0x1], $0xffff;
	v6 =	vmul.f32 $8.000000000e+00, v52  }
0x140: {  	v58 =	vld.idx.msk [tilespmem:v0+s14+$0x40 ss:$0x1], $0xffff;
	v4 =	vmul.f32 $8.000000000e+00, v53  }
0x141: {  	v5 =	vmul.f32 $8.000000000e+00, v54;
	[tilespmem:v0+s12+$0x1C0 ss:$0x1] =	vst.idx.msk $0xffff, v6  }
0x142: {  	v3 =	vmul.f32 $8.000000000e+00, v55;
	[tilespmem:v0+s11+$0x180 ss:$0x1] =	vst.idx.msk $0xffff, v4;
	v59 =	vld.idx.msk [tilespmem:v0+s12+$0x1D0 ss:$0x1], $0xffff  }
0x143: {  	v2 =	vmul.f32 $8.000000000e+00, v56;
	[tilespmem:v0+s0+$0x140 ss:$0x1] =	vst.idx.msk $0xffff, v5;
	v60 =	vld.idx.msk [tilespmem:v0+s11+$0x190 ss:$0x1], $0xffff  }
0x144: {  	v1 =	vmul.f32 $8.000000000e+00, v57;
	[tilespmem:v0+s1+$0x100 ss:$0x1] =	vst.idx.msk $0xffff, v3;
	v61 =	vld.idx.msk [tilespmem:v0+s0+$0x150 ss:$0x1], $0xffff  }
0x145: {  	v62 =	vmul.f32 $8.000000000e+00, v58;
	[tilespmem:v0+s10+$0xC0 ss:$0x1] =	vst.idx.msk $0xffff, v2;
	v63 =	vld.idx.msk [tilespmem:v0+s1+$0x110 ss:$0x1], $0xffff  }
0x146: {  	[tilespmem:v0+s13+$0x80 ss:$0x1] =	vst.idx.msk $0xffff, v1;
	v9 =	vld.idx.msk [tilespmem:v0+s10+$0xD0 ss:$0x1], $0xffff  }
0x147: {  	[tilespmem:v0+s14+$0x40 ss:$0x1] =	vst.idx.msk $0xffff, v62;
	v10 =	vld.idx.msk [tilespmem:v0+s13+$0x90 ss:$0x1], $0xffff;
	v4 =	vmul.f32 $8.000000000e+00, v59  }
0x148: {  	v11 =	vld.idx.msk [tilespmem:v0+s14+$0x50 ss:$0x1], $0xffff;
	v5 =	vmul.f32 $8.000000000e+00, v60  }
0x149: {  	v3 =	vmul.f32 $8.000000000e+00, v61;
	[tilespmem:v0+s12+$0x1D0 ss:$0x1] =	vst.idx.msk $0xffff, v4  }
0x14a: {  	v2 =	vmul.f32 $8.000000000e+00, v63;
	[tilespmem:v0+s11+$0x190 ss:$0x1] =	vst.idx.msk $0xffff, v5;
	v4 =	vld.idx.msk [tilespmem:v0+s12+$0x1E0 ss:$0x1], $0xffff  }
0x14b: {  	v1 =	vmul.f32 $8.000000000e+00, v9;
	[tilespmem:v0+s0+$0x150 ss:$0x1] =	vst.idx.msk $0xffff, v3;
	v12 =	vld.idx.msk [tilespmem:v0+s11+$0x1A0 ss:$0x1], $0xffff  }
0x14c: {  	v13 =	vmul.f32 $8.000000000e+00, v10;
	[tilespmem:v0+s1+$0x110 ss:$0x1] =	vst.idx.msk $0xffff, v2;
	v14 =	vld.idx.msk [tilespmem:v0+s0+$0x160 ss:$0x1], $0xffff  }
0x14d: {  	v15 =	vmul.f32 $8.000000000e+00, v11;
	[tilespmem:v0+s10+$0xD0 ss:$0x1] =	vst.idx.msk $0xffff, v1;
	v16 =	vld.idx.msk [tilespmem:v0+s1+$0x120 ss:$0x1], $0xffff  }
0x14e: {  	[tilespmem:v0+s13+$0x90 ss:$0x1] =	vst.idx.msk $0xffff, v13;
	v17 =	vld.idx.msk [tilespmem:v0+s10+$0xE0 ss:$0x1], $0xffff  }
0x14f: {  	[tilespmem:v0+s14+$0x50 ss:$0x1] =	vst.idx.msk $0xffff, v15;
	v18 =	vld.idx.msk [tilespmem:v0+s13+$0xA0 ss:$0x1], $0xffff;
	v4 =	vmul.f32 $8.000000000e+00, v4  }
0x150: {  	v19 =	vld.idx.msk [tilespmem:v0+s14+$0x60 ss:$0x1], $0xffff;
	v3 =	vmul.f32 $8.000000000e+00, v12  }
0x151: {  	v2 =	vmul.f32 $8.000000000e+00, v14;
	[tilespmem:v0+s12+$0x1E0 ss:$0x1] =	vst.idx.msk $0xffff, v4  }
0x152: {  	v1 =	vmul.f32 $8.000000000e+00, v16;
	[tilespmem:v0+s11+$0x1A0 ss:$0x1] =	vst.idx.msk $0xffff, v3;
	v20 =	vld.idx.msk [tilespmem:v0+s12+$0x1F0 ss:$0x1], $0xffff  }
0x153: {  	v21 =	vmul.f32 $8.000000000e+00, v17;
	[tilespmem:v0+s0+$0x160 ss:$0x1] =	vst.idx.msk $0xffff, v2;
	v22 =	vld.idx.msk [tilespmem:v0+s11+$0x1B0 ss:$0x1], $0xffff  }
0x154: {  	v23 =	vmul.f32 $8.000000000e+00, v18;
	[tilespmem:v0+s1+$0x120 ss:$0x1] =	vst.idx.msk $0xffff, v1;
	v24 =	vld.idx.msk [tilespmem:v0+s0+$0x170 ss:$0x1], $0xffff  }
0x155: {  	v25 =	vmul.f32 $8.000000000e+00, v19;
	[tilespmem:v0+s10+$0xE0 ss:$0x1] =	vst.idx.msk $0xffff, v21;
	v26 =	vld.idx.msk [tilespmem:v0+s1+$0x130 ss:$0x1], $0xffff  }
0x156: {  	[tilespmem:v0+s13+$0xA0 ss:$0x1] =	vst.idx.msk $0xffff, v23;
	v27 =	vld.idx.msk [tilespmem:v0+s10+$0xF0 ss:$0x1], $0xffff  }
0x157: {  	[tilespmem:v0+s14+$0x60 ss:$0x1] =	vst.idx.msk $0xffff, v25;
	v28 =	vld.idx.msk [tilespmem:v0+s13+$0xB0 ss:$0x1], $0xffff;
	v3 =	vmul.f32 $8.000000000e+00, v20  }
0x158: {  	v29 =	vld.idx.msk [tilespmem:v0+s14+$0x70 ss:$0x1], $0xffff;
	v2 =	vmul.f32 $8.000000000e+00, v22  }
0x159: {  	v1 =	vmul.f32 $8.000000000e+00, v24;
	[tilespmem:v0+s12+$0x1F0 ss:$0x1] =	vst.idx.msk $0xffff, v3  }
0x15a: {  	v30 =	vmul.f32 $8.000000000e+00, v26;
	[tilespmem:v0+s11+$0x1B0 ss:$0x1] =	vst.idx.msk $0xffff, v2  }
0x15b: {  	v31 =	vmul.f32 $8.000000000e+00, v27;
	[tilespmem:v0+s0+$0x170 ss:$0x1] =	vst.idx.msk $0xffff, v1;
	v32 =	vld.idx.msk [tilespmem:v0+s11+$0x1C0 ss:$0x1], $0xffff  }
0x15c: {  	v33 =	vmul.f32 $8.000000000e+00, v28;
	[tilespmem:v0+s1+$0x130 ss:$0x1] =	vst.idx.msk $0xffff, v30;
	v34 =	vld.idx.msk [tilespmem:v0+s0+$0x180 ss:$0x1], $0xffff  }
0x15d: {  	v35 =	vmul.f32 $8.000000000e+00, v29;
	[tilespmem:v0+s10+$0xF0 ss:$0x1] =	vst.idx.msk $0xffff, v31;
	v36 =	vld.idx.msk [tilespmem:v0+s1+$0x140 ss:$0x1], $0xffff  }
0x15e: {  	[tilespmem:v0+s13+$0xB0 ss:$0x1] =	vst.idx.msk $0xffff, v33;
	v37 =	vld.idx.msk [tilespmem:v0+s10+$0x100 ss:$0x1], $0xffff  }
0x15f: {  	[tilespmem:v0+s14+$0x70 ss:$0x1] =	vst.idx.msk $0xffff, v35;
	v38 =	vld.idx.msk [tilespmem:v0+s13+$0xC0 ss:$0x1], $0xffff  }
0x160: {  	v39 =	vld.idx.msk [tilespmem:v0+s14+$0x80 ss:$0x1], $0xffff;
	v1 =	vmul.f32 $8.000000000e+00, v32  }
0x161: {  	v3 =	vmul.f32 $8.000000000e+00, v34  }
0x162: {  	v2 =	vmul.f32 $8.000000000e+00, v36;
	[tilespmem:v0+s11+$0x1C0 ss:$0x1] =	vst.idx.msk $0xffff, v1  }
0x163: {  	v40 =	vmul.f32 $8.000000000e+00, v37;
	[tilespmem:v0+s0+$0x180 ss:$0x1] =	vst.idx.msk $0xffff, v3;
	v41 =	vld.idx.msk [tilespmem:v0+s11+$0x1D0 ss:$0x1], $0xffff  }
0x164: {  	v42 =	vmul.f32 $8.000000000e+00, v38;
	[tilespmem:v0+s1+$0x140 ss:$0x1] =	vst.idx.msk $0xffff, v2;
	v43 =	vld.idx.msk [tilespmem:v0+s0+$0x190 ss:$0x1], $0xffff  }
0x165: {  	v44 =	vmul.f32 $8.000000000e+00, v39;
	[tilespmem:v0+s10+$0x100 ss:$0x1] =	vst.idx.msk $0xffff, v40;
	v45 =	vld.idx.msk [tilespmem:v0+s1+$0x150 ss:$0x1], $0xffff  }
0x166: {  	[tilespmem:v0+s13+$0xC0 ss:$0x1] =	vst.idx.msk $0xffff, v42;
	v46 =	vld.idx.msk [tilespmem:v0+s10+$0x110 ss:$0x1], $0xffff  }
0x167: {  	[tilespmem:v0+s14+$0x80 ss:$0x1] =	vst.idx.msk $0xffff, v44;
	v47 =	vld.idx.msk [tilespmem:v0+s13+$0xD0 ss:$0x1], $0xffff  }
0x168: {  	v48 =	vld.idx.msk [tilespmem:v0+s14+$0x90 ss:$0x1], $0xffff;
	v3 =	vmul.f32 $8.000000000e+00, v41  }
0x169: {  	v2 =	vmul.f32 $8.000000000e+00, v43  }
0x16a: {  	v1 =	vmul.f32 $8.000000000e+00, v45;
	[tilespmem:v0+s11+$0x1D0 ss:$0x1] =	vst.idx.msk $0xffff, v3  }
0x16b: {  	v49 =	vmul.f32 $8.000000000e+00, v46;
	[tilespmem:v0+s0+$0x190 ss:$0x1] =	vst.idx.msk $0xffff, v2;
	v50 =	vld.idx.msk [tilespmem:v0+s11+$0x1E0 ss:$0x1], $0xffff  }
0x16c: {  	v51 =	vmul.f32 $8.000000000e+00, v47;
	[tilespmem:v0+s1+$0x150 ss:$0x1] =	vst.idx.msk $0xffff, v1;
	v52 =	vld.idx.msk [tilespmem:v0+s0+$0x1A0 ss:$0x1], $0xffff  }
0x16d: {  	v53 =	vmul.f32 $8.000000000e+00, v48;
	[tilespmem:v0+s10+$0x110 ss:$0x1] =	vst.idx.msk $0xffff, v49;
	v54 =	vld.idx.msk [tilespmem:v0+s1+$0x160 ss:$0x1], $0xffff  }
0x16e: {  	[tilespmem:v0+s13+$0xD0 ss:$0x1] =	vst.idx.msk $0xffff, v51;
	v55 =	vld.idx.msk [tilespmem:v0+s10+$0x120 ss:$0x1], $0xffff  }
0x16f: {  	[tilespmem:v0+s14+$0x90 ss:$0x1] =	vst.idx.msk $0xffff, v53;
	v56 =	vld.idx.msk [tilespmem:v0+s13+$0xE0 ss:$0x1], $0xffff  }
0x170: {  	v57 =	vld.idx.msk [tilespmem:v0+s14+$0xA0 ss:$0x1], $0xffff;
	v2 =	vmul.f32 $8.000000000e+00, v50  }
0x171: {  	v1 =	vmul.f32 $8.000000000e+00, v52  }
0x172: {  	v3 =	vmul.f32 $8.000000000e+00, v54;
	[tilespmem:v0+s11+$0x1E0 ss:$0x1] =	vst.idx.msk $0xffff, v2  }
0x173: {  	v58 =	vmul.f32 $8.000000000e+00, v55;
	[tilespmem:v0+s0+$0x1A0 ss:$0x1] =	vst.idx.msk $0xffff, v1;
	v59 =	vld.idx.msk [tilespmem:v0+s11+$0x1F0 ss:$0x1], $0xffff  }
0x174: {  	v60 =	vmul.f32 $8.000000000e+00, v56;
	[tilespmem:v0+s1+$0x160 ss:$0x1] =	vst.idx.msk $0xffff, v3;
	v61 =	vld.idx.msk [tilespmem:v0+s0+$0x1B0 ss:$0x1], $0xffff  }
0x175: {  	v62 =	vmul.f32 $8.000000000e+00, v57;
	[tilespmem:v0+s10+$0x120 ss:$0x1] =	vst.idx.msk $0xffff, v58;
	v63 =	vld.idx.msk [tilespmem:v0+s1+$0x170 ss:$0x1], $0xffff  }
0x176: {  	[tilespmem:v0+s13+$0xE0 ss:$0x1] =	vst.idx.msk $0xffff, v60;
	v9 =	vld.idx.msk [tilespmem:v0+s10+$0x130 ss:$0x1], $0xffff  }
0x177: {  	[tilespmem:v0+s14+$0xA0 ss:$0x1] =	vst.idx.msk $0xffff, v62;
	v10 =	vld.idx.msk [tilespmem:v0+s13+$0xF0 ss:$0x1], $0xffff  }
0x178: {  	v11 =	vld.idx.msk [tilespmem:v0+s14+$0xB0 ss:$0x1], $0xffff;
	v1 =	vmul.f32 $8.000000000e+00, v59  }
0x179: {  	v3 =	vmul.f32 $8.000000000e+00, v61  }
0x17a: {  	v2 =	vmul.f32 $8.000000000e+00, v63;
	[tilespmem:v0+s11+$0x1F0 ss:$0x1] =	vst.idx.msk $0xffff, v1  }
0x17b: {  	v12 =	vmul.f32 $8.000000000e+00, v9;
	[tilespmem:v0+s0+$0x1B0 ss:$0x1] =	vst.idx.msk $0xffff, v3  }
0x17c: {  	v13 =	vmul.f32 $8.000000000e+00, v10;
	[tilespmem:v0+s1+$0x170 ss:$0x1] =	vst.idx.msk $0xffff, v2;
	v14 =	vld.idx.msk [tilespmem:v0+s0+$0x1C0 ss:$0x1], $0xffff  }
0x17d: {  	v15 =	vmul.f32 $8.000000000e+00, v11;
	[tilespmem:v0+s10+$0x130 ss:$0x1] =	vst.idx.msk $0xffff, v12;
	v16 =	vld.idx.msk [tilespmem:v0+s1+$0x180 ss:$0x1], $0xffff  }
0x17e: {  	[tilespmem:v0+s13+$0xF0 ss:$0x1] =	vst.idx.msk $0xffff, v13;
	v17 =	vld.idx.msk [tilespmem:v0+s10+$0x140 ss:$0x1], $0xffff  }
0x17f: {  	[tilespmem:v0+s14+$0xB0 ss:$0x1] =	vst.idx.msk $0xffff, v15;
	v18 =	vld.idx.msk [tilespmem:v0+s13+$0x100 ss:$0x1], $0xffff  }
0x180: {  	v19 =	vld.idx.msk [tilespmem:v0+s14+$0xC0 ss:$0x1], $0xffff  }
0x181: {  	v2 =	vmul.f32 $8.000000000e+00, v14  }
0x182: {  	v1 =	vmul.f32 $8.000000000e+00, v16  }
0x183: {  	v3 =	vmul.f32 $8.000000000e+00, v17;
	[tilespmem:v0+s0+$0x1C0 ss:$0x1] =	vst.idx.msk $0xffff, v2  }
0x184: {  	v20 =	vmul.f32 $8.000000000e+00, v18;
	[tilespmem:v0+s1+$0x180 ss:$0x1] =	vst.idx.msk $0xffff, v1;
	v21 =	vld.idx.msk [tilespmem:v0+s0+$0x1D0 ss:$0x1], $0xffff  }
0x185: {  	v22 =	vmul.f32 $8.000000000e+00, v19;
	[tilespmem:v0+s10+$0x140 ss:$0x1] =	vst.idx.msk $0xffff, v3;
	v23 =	vld.idx.msk [tilespmem:v0+s1+$0x190 ss:$0x1], $0xffff  }
0x186: {  	[tilespmem:v0+s13+$0x100 ss:$0x1] =	vst.idx.msk $0xffff, v20;
	v24 =	vld.idx.msk [tilespmem:v0+s10+$0x150 ss:$0x1], $0xffff  }
0x187: {  	[tilespmem:v0+s14+$0xC0 ss:$0x1] =	vst.idx.msk $0xffff, v22;
	v25 =	vld.idx.msk [tilespmem:v0+s13+$0x110 ss:$0x1], $0xffff  }
0x188: {  	v26 =	vld.idx.msk [tilespmem:v0+s14+$0xD0 ss:$0x1], $0xffff  }
0x189: {  	v1 =	vmul.f32 $8.000000000e+00, v21  }
0x18a: {  	v3 =	vmul.f32 $8.000000000e+00, v23  }
0x18b: {  	v2 =	vmul.f32 $8.000000000e+00, v24;
	[tilespmem:v0+s0+$0x1D0 ss:$0x1] =	vst.idx.msk $0xffff, v1  }
0x18c: {  	v27 =	vmul.f32 $8.000000000e+00, v25;
	[tilespmem:v0+s1+$0x190 ss:$0x1] =	vst.idx.msk $0xffff, v3;
	v28 =	vld.idx.msk [tilespmem:v0+s0+$0x1E0 ss:$0x1], $0xffff  }
0x18d: {  	v29 =	vmul.f32 $8.000000000e+00, v26;
	[tilespmem:v0+s10+$0x150 ss:$0x1] =	vst.idx.msk $0xffff, v2;
	v30 =	vld.idx.msk [tilespmem:v0+s1+$0x1A0 ss:$0x1], $0xffff  }
0x18e: {  	[tilespmem:v0+s13+$0x110 ss:$0x1] =	vst.idx.msk $0xffff, v27;
	v31 =	vld.idx.msk [tilespmem:v0+s10+$0x160 ss:$0x1], $0xffff  }
0x18f: {  	[tilespmem:v0+s14+$0xD0 ss:$0x1] =	vst.idx.msk $0xffff, v29;
	v32 =	vld.idx.msk [tilespmem:v0+s13+$0x120 ss:$0x1], $0xffff  }
0x190: {  	v33 =	vld.idx.msk [tilespmem:v0+s14+$0xE0 ss:$0x1], $0xffff  }
0x191: {  	v3 =	vmul.f32 $8.000000000e+00, v28  }
0x192: {  	v2 =	vmul.f32 $8.000000000e+00, v30  }
0x193: {  	v1 =	vmul.f32 $8.000000000e+00, v31;
	[tilespmem:v0+s0+$0x1E0 ss:$0x1] =	vst.idx.msk $0xffff, v3  }
0x194: {  	v34 =	vmul.f32 $8.000000000e+00, v32;
	[tilespmem:v0+s1+$0x1A0 ss:$0x1] =	vst.idx.msk $0xffff, v2;
	v35 =	vld.idx.msk [tilespmem:v0+s0+$0x1F0 ss:$0x1], $0xffff  }
0x195: {  	v36 =	vmul.f32 $8.000000000e+00, v33;
	[tilespmem:v0+s10+$0x160 ss:$0x1] =	vst.idx.msk $0xffff, v1;
	v37 =	vld.idx.msk [tilespmem:v0+s1+$0x1B0 ss:$0x1], $0xffff  }
0x196: {  	[tilespmem:v0+s13+$0x120 ss:$0x1] =	vst.idx.msk $0xffff, v34;
	v38 =	vld.idx.msk [tilespmem:v0+s10+$0x170 ss:$0x1], $0xffff  }
0x197: {  	[tilespmem:v0+s14+$0xE0 ss:$0x1] =	vst.idx.msk $0xffff, v36;
	v39 =	vld.idx.msk [tilespmem:v0+s13+$0x130 ss:$0x1], $0xffff  }
0x198: {  	v40 =	vld.idx.msk [tilespmem:v0+s14+$0xF0 ss:$0x1], $0xffff  }
0x199: {  	v2 =	vmul.f32 $8.000000000e+00, v35  }
0x19a: {  	v1 =	vmul.f32 $8.000000000e+00, v37  }
0x19b: {  	v3 =	vmul.f32 $8.000000000e+00, v38;
	[tilespmem:v0+s0+$0x1F0 ss:$0x1] =	vst.idx.msk $0xffff, v2  }
0x19c: {  	v41 =	vmul.f32 $8.000000000e+00, v39;
	[tilespmem:v0+s1+$0x1B0 ss:$0x1] =	vst.idx.msk $0xffff, v1  }
0x19d: {  	v42 =	vmul.f32 $8.000000000e+00, v40;
	[tilespmem:v0+s10+$0x170 ss:$0x1] =	vst.idx.msk $0xffff, v3;
	v43 =	vld.idx.msk [tilespmem:v0+s1+$0x1C0 ss:$0x1], $0xffff  }
0x19e: {  	[tilespmem:v0+s13+$0x130 ss:$0x1] =	vst.idx.msk $0xffff, v41;
	v44 =	vld.idx.msk [tilespmem:v0+s10+$0x180 ss:$0x1], $0xffff  }
0x19f: {  	[tilespmem:v0+s14+$0xF0 ss:$0x1] =	vst.idx.msk $0xffff, v42;
	v45 =	vld.idx.msk [tilespmem:v0+s13+$0x140 ss:$0x1], $0xffff  }
0x1a0: {  	v46 =	vld.idx.msk [tilespmem:v0+s14+$0x100 ss:$0x1], $0xffff;
	_ =	sdelay $0x1  }
0x1a1: {  	v3 =	vmul.f32 $8.000000000e+00, v43  }
0x1a2: {  	v2 =	vmul.f32 $8.000000000e+00, v44  }
0x1a3: {  	v1 =	vmul.f32 $8.000000000e+00, v45;
	[tilespmem:v0+s1+$0x1C0 ss:$0x1] =	vst.idx.msk $0xffff, v3  }
0x1a4: {  	v47 =	vmul.f32 $8.000000000e+00, v46;
	[tilespmem:v0+s10+$0x180 ss:$0x1] =	vst.idx.msk $0xffff, v2;
	v48 =	vld.idx.msk [tilespmem:v0+s1+$0x1D0 ss:$0x1], $0xffff  }
0x1a5: {  	[tilespmem:v0+s13+$0x140 ss:$0x1] =	vst.idx.msk $0xffff, v1;
	v49 =	vld.idx.msk [tilespmem:v0+s10+$0x190 ss:$0x1], $0xffff  }
0x1a6: {  	[tilespmem:v0+s14+$0x100 ss:$0x1] =	vst.idx.msk $0xffff, v47;
	v50 =	vld.idx.msk [tilespmem:v0+s13+$0x150 ss:$0x1], $0xffff  }
0x1a7: {  	v51 =	vld.idx.msk [tilespmem:v0+s14+$0x110 ss:$0x1], $0xffff;
	_ =	sdelay $0x1  }
0x1a8: {  	v2 =	vmul.f32 $8.000000000e+00, v48  }
0x1a9: {  	v1 =	vmul.f32 $8.000000000e+00, v49  }
0x1aa: {  	v3 =	vmul.f32 $8.000000000e+00, v50;
	[tilespmem:v0+s1+$0x1D0 ss:$0x1] =	vst.idx.msk $0xffff, v2  }
0x1ab: {  	v52 =	vmul.f32 $8.000000000e+00, v51;
	[tilespmem:v0+s10+$0x190 ss:$0x1] =	vst.idx.msk $0xffff, v1;
	v53 =	vld.idx.msk [tilespmem:v0+s1+$0x1E0 ss:$0x1], $0xffff  }
0x1ac: {  	[tilespmem:v0+s13+$0x150 ss:$0x1] =	vst.idx.msk $0xffff, v3;
	v54 =	vld.idx.msk [tilespmem:v0+s10+$0x1A0 ss:$0x1], $0xffff  }
0x1ad: {  	[tilespmem:v0+s14+$0x110 ss:$0x1] =	vst.idx.msk $0xffff, v52;
	v55 =	vld.idx.msk [tilespmem:v0+s13+$0x160 ss:$0x1], $0xffff  }
0x1ae: {  	v56 =	vld.idx.msk [tilespmem:v0+s14+$0x120 ss:$0x1], $0xffff;
	_ =	sdelay $0x1  }
0x1af: {  	v1 =	vmul.f32 $8.000000000e+00, v53  }
0x1b0: {  	v3 =	vmul.f32 $8.000000000e+00, v54  }
0x1b1: {  	v2 =	vmul.f32 $8.000000000e+00, v55;
	[tilespmem:v0+s1+$0x1E0 ss:$0x1] =	vst.idx.msk $0xffff, v1  }
0x1b2: {  	v57 =	vmul.f32 $8.000000000e+00, v56;
	[tilespmem:v0+s10+$0x1A0 ss:$0x1] =	vst.idx.msk $0xffff, v3;
	v58 =	vld.idx.msk [tilespmem:v0+s1+$0x1F0 ss:$0x1], $0xffff  }
0x1b3: {  	[tilespmem:v0+s13+$0x160 ss:$0x1] =	vst.idx.msk $0xffff, v2;
	v59 =	vld.idx.msk [tilespmem:v0+s10+$0x1B0 ss:$0x1], $0xffff  }
0x1b4: {  	[tilespmem:v0+s14+$0x120 ss:$0x1] =	vst.idx.msk $0xffff, v57;
	v60 =	vld.idx.msk [tilespmem:v0+s13+$0x170 ss:$0x1], $0xffff  }
0x1b5: {  	v61 =	vld.idx.msk [tilespmem:v0+s14+$0x130 ss:$0x1], $0xffff;
	_ =	sdelay $0x1  }
0x1b6: {  	v3 =	vmul.f32 $8.000000000e+00, v58  }
0x1b7: {  	v2 =	vmul.f32 $8.000000000e+00, v59  }
0x1b8: {  	v1 =	vmul.f32 $8.000000000e+00, v60;
	[tilespmem:v0+s1+$0x1F0 ss:$0x1] =	vst.idx.msk $0xffff, v3  }
0x1b9: {  	v62 =	vmul.f32 $8.000000000e+00, v61;
	[tilespmem:v0+s10+$0x1B0 ss:$0x1] =	vst.idx.msk $0xffff, v2  }
0x1ba: {  	[tilespmem:v0+s13+$0x170 ss:$0x1] =	vst.idx.msk $0xffff, v1;
	v63 =	vld.idx.msk [tilespmem:v0+s10+$0x1C0 ss:$0x1], $0xffff  }
0x1bb: {  	[tilespmem:v0+s14+$0x130 ss:$0x1] =	vst.idx.msk $0xffff, v62;
	v2 =	vld.idx.msk [tilespmem:v0+s13+$0x180 ss:$0x1], $0xffff  }
0x1bc: {  	v3 =	vld.idx.msk [tilespmem:v0+s14+$0x140 ss:$0x1], $0xffff;
	_ =	sdelay $0x2  }
0x1bd: {  	v1 =	vmul.f32 $8.000000000e+00, v63  }
0x1be: {  	v2 =	vmul.f32 $8.000000000e+00, v2  }
0x1bf: {  	v3 =	vmul.f32 $8.000000000e+00, v3;
	[tilespmem:v0+s10+$0x1C0 ss:$0x1] =	vst.idx.msk $0xffff, v1  }
0x1c0: {  	[tilespmem:v0+s13+$0x180 ss:$0x1] =	vst.idx.msk $0xffff, v2;
	v1 =	vld.idx.msk [tilespmem:v0+s10+$0x1D0 ss:$0x1], $0xffff  }
0x1c1: {  	[tilespmem:v0+s14+$0x140 ss:$0x1] =	vst.idx.msk $0xffff, v3;
	v2 =	vld.idx.msk [tilespmem:v0+s13+$0x190 ss:$0x1], $0xffff  }
0x1c2: {  	v3 =	vld.idx.msk [tilespmem:v0+s14+$0x150 ss:$0x1], $0xffff;
	_ =	sdelay $0x2  }
0x1c3: {  	v1 =	vmul.f32 $8.000000000e+00, v1  }
0x1c4: {  	v2 =	vmul.f32 $8.000000000e+00, v2  }
0x1c5: {  	v3 =	vmul.f32 $8.000000000e+00, v3;
	[tilespmem:v0+s10+$0x1D0 ss:$0x1] =	vst.idx.msk $0xffff, v1  }
0x1c6: {  	[tilespmem:v0+s13+$0x190 ss:$0x1] =	vst.idx.msk $0xffff, v2;
	v1 =	vld.idx.msk [tilespmem:v0+s10+$0x1E0 ss:$0x1], $0xffff  }
0x1c7: {  	[tilespmem:v0+s14+$0x150 ss:$0x1] =	vst.idx.msk $0xffff, v3;
	v2 =	vld.idx.msk [tilespmem:v0+s13+$0x1A0 ss:$0x1], $0xffff  }
0x1c8: {  	v3 =	vld.idx.msk [tilespmem:v0+s14+$0x160 ss:$0x1], $0xffff;
	_ =	sdelay $0x2  }
0x1c9: {  	v1 =	vmul.f32 $8.000000000e+00, v1  }
0x1ca: {  	v2 =	vmul.f32 $8.000000000e+00, v2  }
0x1cb: {  	v3 =	vmul.f32 $8.000000000e+00, v3;
	[tilespmem:v0+s10+$0x1E0 ss:$0x1] =	vst.idx.msk $0xffff, v1  }
0x1cc: {  	[tilespmem:v0+s13+$0x1A0 ss:$0x1] =	vst.idx.msk $0xffff, v2;
	v1 =	vld.idx.msk [tilespmem:v0+s10+$0x1F0 ss:$0x1], $0xffff  }
0x1cd: {  	[tilespmem:v0+s14+$0x160 ss:$0x1] =	vst.idx.msk $0xffff, v3;
	v2 =	vld.idx.msk [tilespmem:v0+s13+$0x1B0 ss:$0x1], $0xffff  }
0x1ce: {  	v3 =	vld.idx.msk [tilespmem:v0+s14+$0x170 ss:$0x1], $0xffff;
	_ =	sdelay $0x2  }
0x1cf: {  	v1 =	vmul.f32 $8.000000000e+00, v1  }
0x1d0: {  	v2 =	vmul.f32 $8.000000000e+00, v2  }
0x1d1: {  	v3 =	vmul.f32 $8.000000000e+00, v3;
	[tilespmem:v0+s10+$0x1F0 ss:$0x1] =	vst.idx.msk $0xffff, v1  }
0x1d2: {  	[tilespmem:v0+s13+$0x1B0 ss:$0x1] =	vst.idx.msk $0xffff, v2  }
0x1d3: {  	[tilespmem:v0+s14+$0x170 ss:$0x1] =	vst.idx.msk $0xffff, v3;
	v1 =	vld.idx.msk [tilespmem:v0+s13+$0x1C0 ss:$0x1], $0xffff  }
0x1d4: {  	v2 =	vld.idx.msk [tilespmem:v0+s14+$0x180 ss:$0x1], $0xffff;
	_ =	sdelay $0x3  }
0x1d5: {  	v1 =	vmul.f32 $8.000000000e+00, v1  }
0x1d6: {  	v2 =	vmul.f32 $8.000000000e+00, v2  }
0x1d7: {  	[tilespmem:v0+s13+$0x1C0 ss:$0x1] =	vst.idx.msk $0xffff, v1  }
0x1d8: {  	[tilespmem:v0+s14+$0x180 ss:$0x1] =	vst.idx.msk $0xffff, v2;
	v1 =	vld.idx.msk [tilespmem:v0+s13+$0x1D0 ss:$0x1], $0xffff  }
0x1d9: {  	v2 =	vld.idx.msk [tilespmem:v0+s14+$0x190 ss:$0x1], $0xffff;
	_ =	sdelay $0x3  }
0x1da: {  	v1 =	vmul.f32 $8.000000000e+00, v1  }
0x1db: {  	v2 =	vmul.f32 $8.000000000e+00, v2  }
0x1dc: {  	[tilespmem:v0+s13+$0x1D0 ss:$0x1] =	vst.idx.msk $0xffff, v1  }
0x1dd: {  	[tilespmem:v0+s14+$0x190 ss:$0x1] =	vst.idx.msk $0xffff, v2;
	v1 =	vld.idx.msk [tilespmem:v0+s13+$0x1E0 ss:$0x1], $0xffff  }
0x1de: {  	v2 =	vld.idx.msk [tilespmem:v0+s14+$0x1A0 ss:$0x1], $0xffff;
	_ =	sdelay $0x3  }
0x1df: {  	v1 =	vmul.f32 $8.000000000e+00, v1  }
0x1e0: {  	v2 =	vmul.f32 $8.000000000e+00, v2  }
0x1e1: {  	[tilespmem:v0+s13+$0x1E0 ss:$0x1] =	vst.idx.msk $0xffff, v1  }
0x1e2: {  	[tilespmem:v0+s14+$0x1A0 ss:$0x1] =	vst.idx.msk $0xffff, v2;
	v1 =	vld.idx.msk [tilespmem:v0+s13+$0x1F0 ss:$0x1], $0xffff  }
0x1e3: {  	v2 =	vld.idx.msk [tilespmem:v0+s14+$0x1B0 ss:$0x1], $0xffff;
	_ =	sdelay $0x3  }
0x1e4: {  	v1 =	vmul.f32 $8.000000000e+00, v1  }
0x1e5: {  	v2 =	vmul.f32 $8.000000000e+00, v2  }
0x1e6: {  	[tilespmem:v0+s13+$0x1F0 ss:$0x1] =	vst.idx.msk $0xffff, v1  }
0x1e7: {  	[tilespmem:v0+s14+$0x1B0 ss:$0x1] =	vst.idx.msk $0xffff, v2  }
0x1e8: {  	v1 =	vld.idx.msk [tilespmem:v0+s14+$0x1C0 ss:$0x1], $0xffff;
	_ =	sdelay $0x4  }
0x1e9: {  	v1 =	vmul.f32 $8.000000000e+00, v1;
	_ =	sdelay $0x1  }
0x1ea: {  	[tilespmem:v0+s14+$0x1C0 ss:$0x1] =	vst.idx.msk $0xffff, v1  }
0x1eb: {  	v1 =	vld.idx.msk [tilespmem:v0+s14+$0x1D0 ss:$0x1], $0xffff;
	_ =	sdelay $0x4  }
0x1ec: {  	v1 =	vmul.f32 $8.000000000e+00, v1;
	_ =	sdelay $0x1  }
0x1ed: {  	[tilespmem:v0+s14+$0x1D0 ss:$0x1] =	vst.idx.msk $0xffff, v1  }
0x1ee: {  	v1 =	vld.idx.msk [tilespmem:v0+s14+$0x1E0 ss:$0x1], $0xffff;
	_ =	sdelay $0x4  }
0x1ef: {  	v1 =	vmul.f32 $8.000000000e+00, v1;
	_ =	sdelay $0x1  }
0x1f0: {  	[tilespmem:v0+s14+$0x1E0 ss:$0x1] =	vst.idx.msk $0xffff, v1  }
0x1f1: {  	v1 =	vld.idx.msk [tilespmem:v0+s14+$0x1F0 ss:$0x1], $0xffff;
	_ =	sdelay $0x1  }
0x1f2: {  	s15 =	sshll.u32 s30, $0x10;
	s30 =	sadd.s32 $0x1, s30  }
0x1f3: {  	p0 =	sne.s32 s30, $0x32  }
.Ltmp1:
0x1f4: {  	_ = 	snop;
	(pc) =	sbr.rel @p0 .LBB2_2-.Ltmp1, $4  }
0x1f5: {  	s0 =	sadd.s32 s6, s15;
	v1 =	vmul.f32 $8.000000000e+00, v1  }
0x1f6: {  	s29 =	sshll.u32 s31, $0xF;
	s31 =	sadd.s32 $0x4, s31;
	s0 =	sshrl.u32 s0, $0x3  }
0x1f7: {  	s16 =	sadd.s32 $0x8000, s16;
	s0 =	sadd.s32 s4, s0;
	s1 =	sor.u32 $0x6400, s29;
	[tilespmem:v0+s14+$0x1F0 ss:$0x1] =	vst.idx.msk $0xffff, v1  }
0x1f8: {  	[hbm4b:s0+s23] =	stream.strided.scatter [tilespmem:s1], [sflag:s31], $0x8000, s9, s23, $0x38;
	[tilespmem:$0x1E400] =	vst v63  }
0x1f9: {  	_ =	swait.ge [sflag:s24], $0x8000  }
0x1fa: {  	[sflag:s24] =	ssyncset.done $0x0  }
0x1fb: {  	s28 =	sadd.s32 $0x1, s28;
	[sflag:s24] =	ssyncadd.s32 $0xFFFF8000  }
0x1fc: {  	p0 =	sne.s32 s28, s7;
	_ =	swait.ge [sflag:s25], $0x8000  }
.Ltmp2:
0x1fd: {  	[sflag:s25] =	ssyncset.done $0x0;
	(pc) =	sbr.rel @p0 .LBB2_1-.Ltmp2, $4  }
0x1fe: {  	[sflag:s25] =	ssyncadd.s32 $0xFFFF8000  }
0x1ff: {  	_ =	swait.ge [sflag:s26], $0x8000  }
0x200: {  	[sflag:s26] =	ssyncset.done $0x0  }
0x201: {  	[sflag:s26] =	ssyncadd.s32 $0xFFFF8000  }
0x202: {  	_ =	sfence.sel $0x180000  }
0x203: {  	[bflag:$0x0] =	sbarrier.arrive $0xFFFF  }
0x204: {  	_ =	strace $0x90000047  }
0x205: {  	s0 =	stileid.u32;
	[bflag:$0x2] =	sbarrier.arrive $0xFFFF  }
0x206: {  	p0 =	sne.s32 s0, $0x0;
	s0 =	rddreg [dreg:$0x2]  }
0x207: {  	s0 =	sadd.s32 @!p0 $0x100000, s0  }
0x208: {  	[sflag:s0] =	ssyncadd.tile.s32 @!p0 $0x1;
	_ =	shalt  }
.Lfunc_end2:
_tile_overlayer_lowered:
.L_overlay_start_2:
0x209: {  	(tag) =	ssettag $0x2  }
0x20a: {  	s0 =	rddreg [dreg:$0x0];
	s2 =	stileid.u32  }
0x20b: {  	s1 =	rddreg [dreg:$0x1];
	p0 =	sne.s32 s2, $0x0  }
0x20c: {  	s3 =	rddreg [dreg:$0x2];
	[bflag:$0x3] =	sbarrier.arrive $0xFFFF;
	s2 =	simm.s32 @!p0 $0x1C07  }
0x20d: {  	[timem:s3], [sflag:s2] =	dma.local @!p0 [hbm:s0], s1  }
0x20e: {  	s0 =	simm.s32 @!p0 $0x7  }
0x20f: {  	_ =	swait.ge @!p0 [sflag:s0], s1  }
0x210: {  	s1 =	ssub.s32 @!p0 $0x0, s1;
	[sflag:s0] =	ssyncset.done @!p0 $0x0  }
0x211: {  	[sflag:s0] =	ssyncadd.s32 @!p0 s1  }
0x212: {  	[bflag:$0x3] =	sbarrier.arrive $0xFFFF  }
0x213: {  	_ =	shalt  }

// kernel: sparse-core-data-format-call.cloned.1.call-start
scs
called_computation_lowered:
.L_overlay_start_0:
0x0: {  	s2 =	sld [smem:$0x3FD9]  }
0x1: {  	s3 =	sld [smem:$0x3FFE];
	_ =	sdelay $0x1  }
0x2: {  	s1 =	srdreg.scid  }
0x3: {  	s0 =	sand.u32 $0x1, s1  }
0x4: {  	s18 =	sshll.u32 s0, $0xA;
	s2 =	sadd.s32 s3, s2  }
0x5: {  	s2 =	sadd.s32 s2, s18  }
0x6: {  	[smem:$0x3FC6] =	sst s2  }
0x7: {  	_ = 	snop  }
0x8: {  	s2 =	sld [smem:$0x3FD0];
	(tm) =	ssettm $0x1  }
0x9: {  	s19 =	sld [smem:$0x3FFB];
	_ =	sdelay $0x3  }
0xa: {  	_ =	strace s19  }
0xb: {  	s3 =	sld [smem:$0x3FFC];
	_ =	sdelay $0x3  }
0xc: {  	_ =	strace s3  }
0xd: {  	s3 =	sld [smem:$0x3FFD];
	_ =	sdelay $0x3  }
0xe: {  	_ =	strace s3  }
0xf: {  	_ =	strace $0x8FFFFFFF  }
0x10: {  	s20 =	sld [smem:$0x3FDB];
	_ =	sdelay $0x1  }
0x11: {  	s4 =	simm.s32 $_scs_section_size  }
0x12: {  	s5 =	simm.s32 $_size__tile_overlayer_lowered;
	s6 =	simm.s32 $_tile_overlayer_lowered  }
0x13: {  	s23 =	simm.s32 $0x1BFF;
	s22 =	sshll.u32 s6, $0x1;
	s3 =	sadd.s32 s4, s20  }
0x14: {  	s7 =	simm.s32 $0x0;
	s21 =	sshll.u32 s5, $0x1;
	s5 =	sadd.s32 s22, s3  }
0x15: {  	[timem:s7], [sflag:s23] =	dma.local [hbm:s5], s21  }
0x16: {  	_ =	swait.ge [sflag:s23], s21  }
0x17: {  	s4 =	ssub.s32 $0x0, s21;
	[sflag:s23] =	ssyncset.done $0x0  }
0x18: {  	[sflag:s23] =	ssyncadd.s32 s4;
	_ =	sdelay $0x1  }
0x19: {  	s24 =	simm.s32 $0x1B8B  }
0x1a: {  	_ =	swait.ge [sflag:s24], $0x1  }
0x1b: {  	[sflag:s24] =	ssyncset.done $0x0  }
0x1c: {  	s26 =	simm.s32 $0x1B8E;
	s25 =	sld [smem:$0x3FFE];
	[sflag:s24] =	ssyncadd.s32 $0xFFFFFFFF  }
0x1d: {  	s27 =	simm.s32 $execute0_lowered;
	[smem:$0x3FD2] =	sst s26  }
0x1e: {  	s5 =	sshll.u32 s27, $0x1;
	_ =	strace $0x80000049;
	[dreg:$0x1] =	wrdreg $0xFFFFFFFF  }
0x1f: {  	s28 =	simm.s32 $_size_execute0_lowered;
	s3 =	sadd.s32 s3, s5;
	[dreg:$0x0] =	wrdreg $0x0  }
0x20: {  	s5 =	sshll.u32 s28, $0x1;
	[dreg:$0x2] =	wrdreg s3  }
0x21: {  	[dreg:$0x3] =	wrdreg s5  }
0x22: {  	[dreg:$0x4] =	wrdreg $0xC0  }
0x23: {  	_ =	task [dreg:s7], $0x5FFFF  }
0x24: {  	[dreg:$0x1] =	wrdreg $0xFFFFFFFF  }
0x25: {  	[dreg:$0x0] =	wrdreg $0x60  }
0x26: {  	[dreg:$0x2] =	wrdreg s25  }
0x27: {  	[dreg:$0x3] =	wrdreg s2  }
0x28: {  	[dreg:$0x4] =	wrdreg $0x9  }
0x29: {  	_ =	task.clear_ibuf [dreg:s7], $0x5FFFF;
	_ =	strace $0x90000049  }
0x2a: {  	s29 =	simm.s32 $0x9;
	_ =	strace $0x8000004B  }
0x2b: {  	_ =	swait.ge [sflag:s29], $0x1  }
0x2c: {  	[sflag:s29] =	ssyncadd.s32 $0xFFFFFFFF  }
0x2d: {  	_ =	strace $0x9000004B  }
0x2e: {  	_ =	sfence  }
0x2f: {  	s30 =	sld [smem:$0x0];
	_ =	sdelay $0x2  }
0x30: {  	s31 =	sshll.u32 s1, $0xD;
	s1 =	sshrl.u32 s1, $0x2  }
0x31: {  	s3 =	sand.u32 $0x4000, s31;
	s1 =	sadd.s32 s1, s30  }
0x32: {  	s0 =	sor.u32 s3, s0;
	s1 =	sshll.u32 s1, $0x11  }
0x33: {  	s0 =	sor.u32 s1, s0  }
0x34: {  	s0 =	sadd.s32 $0x8F2B, s0  }
0x35: {  	[sflag:s0] =	ssyncadd.remote.s32 $0x1  }
0x36: {  	_ =	sfence.sel $0xFFFF  }
0x37: {  	[dreg:$0x0] =	wrdreg $0xFFFFFFFF;
	(pc) =	sbr.abs _section_cstart, $3  }
0x38: {  	[dreg:$0x1] =	wrdreg $0xFFFFFFFF  }
0x39: {  	_ =	task.clear_ibuf [dreg:s7], $0x2FFFF;
	_ =	strace $0x9FFFFFFF  }
0x3a: {  	(tm) =	ssettm $0x7FFFFFFF  }
0x3b: {  	_ =	shalt  }
tec
execute0_lowered:
.L_overlay_start_1:
0x0: {  	(tag) =	ssettag $0x1  }
0x1: {  	s0 =	srdreg.scid  }
0x2: {  	s1 =	sshll.u32 s0, $0x4  }
0x3: {  	s0 =	stileid.u32;
	s1 =	sand.u32 $0x10, s1  }
0x4: {  	s1 =	sor.u32 s0, s1  }
0x5: {  	s6 =	rddreg [dreg:$0x0];
	s4 =	simm.s32 $0x1;
	s2 =	sshll.u32 s1, $0x7  }
0x6: {  	s7 =	simm.s32 $0x2;
	s12 =	simm.s32 $0x0;
	s1 =	ssub.s32 $0x1000, s2  }
0x7: {  	s8 =	simm.s32 $0x8000;
	s13 =	simm.s32 $0x0;
	s3 =	sand.u32 $0xF80, s1  }
0x8: {  	s9 =	simm.s32 $0x0;
	s5 =	sshrl.u32 s1, $0xC;
	p0 =	sne.s32 s3, $0x0  }
.Ltmp0:
0x9: {  	s1 =	rddreg [dreg:$0x2];
	s4 =	simm.s32 @!p0 $0x0;
	(pc) =	sbr.rel .LBB1_1-.Ltmp0, $4  }
0xa: {  	s11 =	simm.s32 $0x0;
	s3 =	rddreg [dreg:$0x1];
	s5 =	sadd.s32 s4, s5  }
0xb: {  	_ =	strace $0x8000004A;
	s4 =	simm.s32 $0x1;
	s5 =	smul.u32 $0xC8, s5  }
0xc: {  	s6 =	sadd.s32 $0xA00, s6;
	s10 =	smov.u32 s2;
	[sflag:s4] =	ssyncpa.u1 $0x0  }
0xd: {  	p0 =	por $0x0, $0x0;
	[sflag:s7] =	ssyncpa.u1 $0x0;
	s7 =	sor.u32 $0x1, s5  }
.LBB1_4:
0xe: {  	s16 =	sshll.u32 s13, $0x3;
	s17 =	sand.u32 $0x78, s13  }
0xf: {  	s30 =	sand.u32 $0x7E00, s13;
	s12 =	sshll.u32 s12, $0xF;
	s16 =	sand.u32 $0xC00, s16  }
0x10: {  	[tilespmem:s15+$0x810 ss:$0x81] =	vst.msk $0xffff, v2;
	s31 =	sand.u32 $0x7, s13;
	s16 =	sor.u32 s17, s16;
	s17 =	sadd.s32 s3, s30  }
0x11: {  	[tilespmem:s15+$0x1020 ss:$0x81] =	vst.msk $0xffff, v0;
	s13 =	sshll.u32 s31, $0x12;
	s12 =	sadd.s32 s12, s17;
	s16 =	sshrl.u32 s16, $0x3  }
0x12: {  	[tilespmem:s15+$0x0 ss:$0x81] =	vst.msk $0xffff, v1;
	s13 =	sor.u32 $0x400, s13;
	s12 =	sadd.s32 s16, s12  }
0x13: {  	[hbm4b:s12+s13] =	stream.strided.scatter [tilespmem:s14], [sflag:$0x2], $0x2000, s8, s13, $0x20;
	[tilespmem:$0x8080] =	vst v63  }
.LBB1_5:
0x14: {  	s14 =	sadd.s32 $0x1, s9  }
0x15: {  	s12 =	sadd.s32 $0x1000, s10;
	s16 =	smov.u32 s10;
	p2 =	sgt.s32 s14, $0xC7  }
0x16: {  	s16 =	smov.u32 @p2 s12  }
0x17: {  	s14 =	simm.s32 @p2 $0x0;
	p2 =	sgt.s32 s16, $0xFFF  }
0x18: {  	s16 =	smov.u32 @p2 s2;
	p2 =	sne.s32 s11, s7  }
.Ltmp1:
0x19: {  	p1 =	slt.u32 s11, $0x2;
	(pc) =	sbr.rel @!p2 .LBB1_6-.Ltmp1, $4  }
0x1a: {  	s15 =	simm.s32 @!p1 $0x2  }
0x1b: {  	s13 =	smov.u32 s10;
	p0 =	por !p0, !p0;
	_ =	swait.ge @!p1 [sflag:s15], $0x2000  }
0x1c: {  	s12 =	smov.u32 s9;
	[sflag:s15] =	ssyncset.done @!p1 $0x0;
	s9 =	smov.u32 s14  }
0x1d: {  	s11 =	sadd.s32 $0x1, s11;
	[sflag:s15] =	ssyncadd.s32 @!p1 $0xFFFFE000;
	s10 =	smov.u32 s16  }
.LBB1_1:
0x1e: {  	p1 =	sge.u32 s11, s5  }
0x1f: {  	s14 =	sand.u32 @!p1 $0x1FFFFFF, s9  }
0x20: {  	s15 =	smulhi.u32 @!p1 $0x147AE15, s14;
	_ =	sdelay $0x1  }
0x21: {  	s15 =	smul.u32 @!p1 $0xC8, s15  }
0x22: {  	s16 =	sxor.u32 @!p1 $0xFFFFFFFF, s11;
	s17 =	smul.u32 @!p1 $0xC80, s10  }
0x23: {  	s31 =	sadd.s32 $0xFFFFFFFF, s11;
	s16 =	sshll.u32 @!p1 s16, $0xD;
	s14 =	ssub.s32 @!p1 s14, s15  }
0x24: {  	s15 =	sand.u32 @!p1 $0x2000, s16;
	s16 =	sadd.s32 @!p1 s6, s17;
	s14 =	sshll.u32 @!p1 s14, $0x4  }
0x25: {  	s17 =	simm.s32 @!p1 $0x6400;
	s14 =	sadd.s32 @!p1 s14, s16;
	s16 =	simm.s32 @!p1 $0x40  }
0x26: {  	[tilespmem:s15], [sflag:$0x1] =	stream.strided.gather @!p1 [hbm4b:s14+s16], $0x2000, s17, s16, $0x38;
	[tilespmem:$0x8080] =	vst v63  }
0x27: {  	p1 =	sge.u32 s31, s5  }
.Ltmp2:
0x28: {  	_ = 	snop;
	(pc) =	sbr.rel @p1 .LBB1_5-.Ltmp2, $1  }
0x29: {  	_ =	sdelay $0x3  }
0x2a: {  	s14 =	simm.s32 $0x1  }
0x2b: {  	_ =	swait.ge [sflag:s4], $0x2000;
	s14 =	simm.s32 @!p0 $0x0  }
0x2c: {  	[sflag:s4] =	ssyncset.done $0x0;
	s15 =	sshll.u32 s14, $0xD  }
0x2d: {  	[sflag:s4] =	ssyncadd.s32 $0xFFFFE000;
	s18 =	sor.u32 $0x20, s15  }
0x2e: {  	s14 =	smul.u32 $0x8100, s14;
	v3 =	vld [tilespmem:s18+$0x10]  }
0x2f: {  	s30 =	sand.u32 $0x1, s11;
	v2 =	vld [tilespmem:s18+$0xFFFFFFF0]  }
0x30: {  	s15 =	smul.u32 $0x8100, s30;
	s14 =	sshrl.u32 s14, $0x2;
	v0 =	vld [tilespmem:s18+$0x0]  }
0x31: {  	v1 =	vld [tilespmem:s18+$0xFFFFFFE0];
	s16 =	sor.u32 $0x4000, s14  }
0x32: {  	s31 =	sshrl.u32 s15, $0x2;
	s15 =	sadd.s32 $0x0, s16  }
0x33: {  	s17 =	simm.s32 $0x4;
	s18 =	sadd.s32 $0x40, s18;
	s14 =	sor.u32 $0x4000, s31;
	[tilespmem:s15+$0x1830 ss:$0x81] =	vst.msk $0xffff, v3  }
.LBB1_3:
0x34: {  	v3 =	vld [tilespmem:s18+$0x10];
	p1 =	sne.s32 s17, $0x1FC;
	[tilespmem:s15+$0x810 ss:$0x81] =	vst.msk $0xffff, v2;
	s19 =	smov.u32 s17;
	s17 =	sadd.s32 $0x4, s17  }
.Ltmp3:
0x35: {  	v2 =	vld [tilespmem:s18+$0xFFFFFFF0];
	[tilespmem:s15+$0x1020 ss:$0x81] =	vst.msk $0xffff, v0;
	(pc) =	sbr.rel @p1 .LBB1_3-.Ltmp3, $4  }
0x36: {  	v0 =	vld [tilespmem:s18+$0x0];
	[tilespmem:s15+$0x0 ss:$0x81] =	vst.msk $0xffff, v1  }
0x37: {  	s15 =	sshra.s32 s19, $0x2;
	v1 =	vld [tilespmem:s18+$0xFFFFFFE0]  }
0x38: {  	s15 =	sadd.s32 s15, s16  }
0x39: {  	s18 =	sadd.s32 $0x40, s18;
	[tilespmem:s15+$0x1830 ss:$0x81] =	vst.msk $0xffff, v3  }
.Ltmp4:
0x3a: {  	_ = 	snop;
	(pc) =	sbr.rel .LBB1_4-.Ltmp4, $1  }
0x3b: {  	_ =	sdelay $0x3  }
.LBB1_6:
0x3c: {  	_ =	sfence.sel $0x180000  }
0x3d: {  	s2 =	simm.s32 $0x1;
	[bflag:$0x0] =	sbarrier.arrive $0xFFFF  }
0x3e: {  	s31 =	simm.s32 $0x2;
	[sflag:s2] =	ssyncpa.u1 $0x1  }
0x3f: {  	[sflag:s31] =	ssyncpa.u1 $0x1  }
0x40: {  	p0 =	sne.s32 s0, $0x0;
	_ =	strace $0x9000004A  }
0x41: {  	s0 =	sadd.s32 @!p0 $0x100000, s1;
	[bflag:$0x2] =	sbarrier.arrive $0xFFFF  }
0x42: {  	[sflag:s0] =	ssyncadd.tile.s32 @!p0 $0x1;
	_ =	shalt  }
.Lfunc_end1:
_tile_overlayer_lowered:
.L_overlay_start_2:
0x43: {  	(tag) =	ssettag $0x2  }
0x44: {  	s0 =	rddreg [dreg:$0x0];
	s2 =	stileid.u32  }
0x45: {  	s1 =	rddreg [dreg:$0x1];
	p0 =	sne.s32 s2, $0x0  }
0x46: {  	s3 =	rddreg [dreg:$0x2];
	[bflag:$0x3] =	sbarrier.arrive $0xFFFF;
	s2 =	simm.s32 @!p0 $0x1C01  }
0x47: {  	[timem:s3], [sflag:s2] =	dma.local @!p0 [hbm:s0], s1  }
0x48: {  	s0 =	simm.s32 @!p0 $0x1  }
0x49: {  	_ =	swait.ge @!p0 [sflag:s0], s1  }
0x4a: {  	s1 =	ssub.s32 @!p0 $0x0, s1;
	[sflag:s0] =	ssyncset.done @!p0 $0x0  }
0x4b: {  	[sflag:s0] =	ssyncadd.s32 @!p0 s1  }
0x4c: {  	[bflag:$0x3] =	sbarrier.arrive $0xFFFF  }
0x4d: {  	_ =	shalt  }

</sc_bundles>
